<compile_context>
chip_gen: v7x
topology: tpu7x:2x2x1
jax: 0.10.2.dev20260603
libtpu: 0.0.44.dev20260713+nightly
codegen_flags: <defaults>
</compile_context>

<pallas_src>
import functools
import math

import jax
import jax.numpy as jnp
from jax import lax
from jax.experimental import pallas as pl
from jax.experimental.pallas import tpu as pltpu
from jax.experimental.pallas import tpu_sc as plsc

_K = 16
_SQRT_C = math.sqrt(3.0)
_NC = 2
_NS = 16
_NW = _NC * _NS
_HIGH = lax.Precision.HIGHEST


def _leaky(x):
    return jnp.where(x >= 0, x, 0.1 * x)


def _dot(a, b, dims):
    return lax.dot_general(a, b, (dims, ((), ())), precision=_HIGH,
                           preferred_element_type=jnp.float32)



def _knn_body(q_ref, db_ref, idx_ref, *, n2, bn):
    b = pl.program_id(0)
    q = q_ref[0]
    db = db_ref[0]
    qn = jnp.sum(q * q, axis=1, keepdims=True)
    dbn = jnp.sum(db * db, axis=1)[None, :]
    qdb = lax.dot_general(q, db, (((1,), (1,)), ((), ())),
                          preferred_element_type=jnp.float32)
    d = qn + dbn - 2.0 * qdb
    iota = lax.broadcasted_iota(jnp.int32, (bn, n2), 1)
    kio = lax.broadcasted_iota(jnp.int32, (bn, _K), 1)
    off = b * n2
    acc = jnp.zeros((bn, _K), jnp.int32)
    for k in range(_K):
        m = jnp.min(d, axis=1, keepdims=True)
        cand = jnp.where(d == m, iota, n2)
        j = jnp.min(cand, axis=1, keepdims=True)
        acc = jnp.where(kio == k, j + off, acc)
        d = jnp.where(iota == j, jnp.inf, d)
    idx_ref[0] = acc


def _knn(query, db):
    B, N1, _ = query.shape
    N2 = db.shape[1]
    BN = min(512, N1)
    body = functools.partial(_knn_body, n2=N2, bn=BN)
    return pl.pallas_call(
        body,
        grid=(B, N1 // BN),
        in_specs=[
            pl.BlockSpec((1, BN, 3), lambda b, j: (b, j, 0)),
            pl.BlockSpec((1, N2, 3), lambda b, j: (b, 0, 0)),
        ],
        out_specs=pl.BlockSpec((1, BN, _K), lambda b, j: (b, j, 0)),
        out_shape=jax.ShapeDtypeStruct((B, N1, _K), jnp.int32),
    )(query, db)



def _sc_gather(table, idx):
    V, D = table.shape
    Btot = idx.shape[0]
    b_per_w = Btot // _NW
    CH = 128
    nch = b_per_w // CH
    mesh = plsc.VectorSubcoreMesh(core_axis_name="c", subcore_axis_name="s")

    @functools.partial(
        pl.kernel, mesh=mesh,
        out_type=jax.ShapeDtypeStruct((Btot, D), jnp.float32),
        scratch_types=[
            pltpu.VMEM((CH,), jnp.int32),
            pltpu.VMEM((CH, D), jnp.float32),
            pltpu.SemaphoreType.DMA,
        ],
    )
    def gk(table_hbm, idx_hbm, out_hbm, idx_v, rows_v, sem):
        wid = lax.axis_index("s") * _NC + lax.axis_index("c")
        base = wid * b_per_w

        @pl.loop(0, nch)
        def _chunk(i):
            off = base + i * CH
            pltpu.sync_copy(idx_hbm.at[pl.ds(off, CH)], idx_v)
            pltpu.async_copy(table_hbm.at[idx_v], rows_v, sem).wait()
            pltpu.sync_copy(rows_v, out_hbm.at[pl.ds(off, CH)])

    return gk(table, idx)



def _mlp_branch(g3, x1, hp1, w0b, w0c, b0, w1, b1, bn):
    p2g = g3[:, :, :64].reshape(bn * _K, 64)
    dirg = (g3[:, :, 64:67] - x1[:, None, :]).reshape(bn * _K, 3)
    h = _dot(p2g, w0b, ((1,), (1,))) + _dot(dirg, w0c, ((1,), (1,)))
    h = h + jnp.broadcast_to(hp1[:, None, :], (bn, _K, 64)).reshape(bn * _K, 64)
    h = _leaky(h + b0[None, :])
    h = _leaky(_dot(h, w1, ((1,), (1,))) + b1[None, :])
    return h


def _k2_body(p1_ref, x1_ref, ga_ref, gb_ref, w0_ref, b0_ref, w1_ref, b1_ref,
             npo_ref, npwo_ref, qk_ref, *, bn):
    p1 = p1_ref[0]
    x1 = x1_ref[0]
    w0 = w0_ref[...]
    b0 = b0_ref[0]
    w1 = w1_ref[...]
    b1 = b1_ref[0]
    w0a = w0[:, :64]
    w0b = w0[:, 64:128]
    w0c = w0[:, 128:131]
    hp1 = _dot(p1, w0a, ((1,), (1,)))
    np_ = _mlp_branch(ga_ref[...], x1, hp1, w0b, w0c, b0, w1, b1, bn)
    npw = _mlp_branch(gb_ref[...], x1, hp1, w0b, w0c, b0, w1, b1, bn)
    npo_ref[...] = np_
    npwo_ref[...] = npw
    part = lax.dot_general(
        np_.reshape(bn, _K, 64), npw.reshape(bn, _K, 64),
        (((0,), (0,)), ((2,), (2,))), precision=_HIGH,
        preferred_element_type=jnp.float32)

    @pl.when(pl.program_id(1) == 0)
    def _init():
        qk_ref[...] = part

    @pl.when(pl.program_id(1) != 0)
    def _acc():
        qk_ref[...] += part


def _k2(p1t, x1t, ga, gb, w0, b0, w1, b1):
    B, N1, _ = p1t.shape
    BN = min(256, N1)
    nb = N1 // BN
    body = functools.partial(_k2_body, bn=BN)
    rmap = lambda b, j: (b * nb + j, 0)
    rmap3 = lambda b, j: (b * nb + j, 0, 0)
    return pl.pallas_call(
        body,
        grid=(B, nb),
        in_specs=[
            pl.BlockSpec((1, BN, 64), lambda b, j: (b, j, 0)),
            pl.BlockSpec((1, BN, 3), lambda b, j: (b, j, 0)),
            pl.BlockSpec((BN, _K, 128), rmap3),
            pl.BlockSpec((BN, _K, 128), rmap3),
            pl.BlockSpec((64, 131), lambda b, j: (0, 0)),
            pl.BlockSpec((1, 64), lambda b, j: (0, 0)),
            pl.BlockSpec((64, 64), lambda b, j: (0, 0)),
            pl.BlockSpec((1, 64), lambda b, j: (0, 0)),
        ],
        out_specs=[
            pl.BlockSpec((BN * _K, 64), rmap),
            pl.BlockSpec((BN * _K, 64), rmap),
            pl.BlockSpec((64, _K, _K), lambda b, j: (b, 0, 0)),
        ],
        out_shape=[
            jax.ShapeDtypeStruct((B * N1 * _K, 64), jnp.float32),
            jax.ShapeDtypeStruct((B * N1 * _K, 64), jnp.float32),
            jax.ShapeDtypeStruct((B * 64, _K, _K), jnp.float32),
        ],
    )(p1t, x1t, ga, gb, w0, b0.reshape(1, 64), w1, b1.reshape(1, 64))



def _k3_body(qk_ref, npo_ref, npwo_ref, out_ref, *, bn):
    qk = qk_ref[...]
    m = jnp.max(qk, axis=-1, keepdims=True)
    e = jnp.exp(qk - m)
    p = e / jnp.sum(e, axis=-1, keepdims=True)
    p = jnp.maximum(p / _SQRT_C, 1e-10)
    wrow = jnp.transpose(jnp.sum(p, axis=2))
    wcol = jnp.transpose(jnp.sum(p, axis=1))
    np3 = npo_ref[...].reshape(bn, _K, 64)
    npw3 = npwo_ref[...].reshape(bn, _K, 64)
    cost = jnp.sum(np3 * wcol[None, :, :], axis=1)
    costw = jnp.sum(npw3 * wrow[None, :, :], axis=1)
    out_ref[...] = jnp.concatenate([cost, costw], axis=1)


def _k3(qk, npo, npwo, B, N1):
    BN = min(512, N1)
    nb = N1 // BN
    body = functools.partial(_k3_body, bn=BN)
    rmap = lambda b, j: (b * nb + j, 0)
    return pl.pallas_call(
        body,
        grid=(B, nb),
        in_specs=[
            pl.BlockSpec((64, _K, _K), lambda b, j: (b, 0, 0)),
            pl.BlockSpec((BN * _K, 64), rmap),
            pl.BlockSpec((BN * _K, 64), rmap),
        ],
        out_specs=pl.BlockSpec((BN, 128), rmap),
        out_shape=jax.ShapeDtypeStruct((B * N1, 128), jnp.float32),
    )(qk, npo, npwo)



def _w1_body(gst_ref, x1rt_ref, wn0_ref, wb0_ref, wn1_ref, wb1_ref, wn2_ref,
             wb2_ref, y2_ref, st_ref, *, n):
    dirt = gst_ref[...] - x1rt_ref[...]
    wn0 = wn0_ref[...]
    wn1 = wn1_ref[...]
    wn2 = wn2_ref[...]
    z1 = _dot(wn0, dirt, ((1,), (0,))) + wb0_ref[...]
    m1 = jnp.mean(z1, axis=1, keepdims=True)
    v1 = jnp.mean((z1 - m1) * (z1 - m1), axis=1, keepdims=True)
    y1 = jax.nn.relu((z1 - m1) / jnp.sqrt(v1 + 1e-5))
    z2 = _dot(wn1, y1, ((1,), (0,))) + wb1_ref[...]
    m2 = jnp.mean(z2, axis=1, keepdims=True)
    v2 = jnp.mean((z2 - m2) * (z2 - m2), axis=1, keepdims=True)
    y2 = jax.nn.relu((z2 - m2) / jnp.sqrt(v2 + 1e-5))
    y2_ref[...] = y2
    my2 = jnp.mean(y2, axis=1, keepdims=True)
    s2 = _dot(y2, y2, ((1,), (1,))) / float(n)
    m3 = jnp.transpose(_dot(wn2, my2, ((1,), (0,)))) + wb2_ref[...]
    w2s = _dot(wn2, s2, ((1,), (0,)))
    v3 = jnp.sum(w2s * wn2, axis=1)[None, :] - m3 * m3
    srow = lax.broadcasted_iota(jnp.int32, (8, 64), 0)
    st_ref[...] = jnp.where(srow == 0, m3,
                            jnp.where(srow == 1, v3, 0.0))


def _w1(gst, x1rt, wn_w0, wn_b0, wn_w1, wn_b1, wn_w2, wn_b2):
    n = gst.shape[1]
    body = functools.partial(_w1_body, n=n)
    return pl.pallas_call(
        body,
        out_shape=[
            jax.ShapeDtypeStruct((8, n), jnp.float32),
            jax.ShapeDtypeStruct((8, 64), jnp.float32),
        ],
    )(gst, x1rt, wn_w0, wn_b0.reshape(8, 1), wn_w1, wn_b1.reshape(8, 1),
      wn_w2, wn_b2.reshape(1, 64))



def _w2_body(y2_ref, gc_ref, st_ref, wn2_ref, wb2_ref, o1_ref, o2_ref, *, bn):
    y2 = y2_ref[...]
    gc = gc_ref[...]
    st = st_ref[...]
    z3 = _dot(wn2_ref[...], y2, ((1,), (0,)))
    z3 = jnp.transpose(z3) + wb2_ref[...]
    w = jax.nn.relu((z3 - st[0:1, :]) / jnp.sqrt(st[1:2, :] + 1e-5))
    o1_ref[...] = jnp.sum((w * gc[:, :64]).reshape(bn, _K, 64), axis=1)
    o2_ref[...] = jnp.sum((w * gc[:, 64:]).reshape(bn, _K, 64), axis=1)


def _w2(y2, gc, stats, wn_w2, wn_b2):
    rows = y2.shape[1] // _K
    BN = min(512, rows)
    body = functools.partial(_w2_body, bn=BN)
    return pl.pallas_call(
        body,
        grid=(rows // BN,),
        in_specs=[
            pl.BlockSpec((8, BN * _K), lambda i: (0, i)),
            pl.BlockSpec((BN * _K, 128), lambda i: (i, 0)),
            pl.BlockSpec((8, 64), lambda i: (0, 0)),
            pl.BlockSpec((64, 8), lambda i: (0, 0)),
            pl.BlockSpec((1, 64), lambda i: (0, 0)),
        ],
        out_specs=[
            pl.BlockSpec((BN, 64), lambda i: (i, 0)),
            pl.BlockSpec((BN, 64), lambda i: (i, 0)),
        ],
        out_shape=[
            jax.ShapeDtypeStruct((rows, 64), jnp.float32),
            jax.ShapeDtypeStruct((rows, 64), jnp.float32),
        ],
    )(y2, gc, stats, wn_w2, wn_b2.reshape(1, 64))



def kernel(xyz1, xyz2, xyz2w, points1, points2, w0, b0, w1, b1,
           wn_w0, wn_b0, wn_w1, wn_b1, wn_w2, wn_b2):
    B, _, N1 = xyz1.shape
    N2 = xyz2.shape[2]
    D = points1.shape[1]
    M = w0.shape[0]
    x1t = jnp.transpose(xyz1, (0, 2, 1))
    x2t = jnp.transpose(xyz2, (0, 2, 1))
    x2wt = jnp.transpose(xyz2w, (0, 2, 1))
    p1t = jnp.transpose(points1, (0, 2, 1))
    p2t = jnp.transpose(points2, (0, 2, 1))

    idx_a = _knn(x1t, x2t)
    idx_b = _knn(x1t, x2wt)
    idx_s = _knn(x1t, x1t)

    pad = jnp.zeros((B * N2, 61), jnp.float32)
    p2f = p2t.reshape(B * N2, D)
    tab_a = jnp.concatenate([p2f, x2t.reshape(B * N2, 3), pad], axis=1)
    tab_b = jnp.concatenate([p2f, x2wt.reshape(B * N2, 3), pad], axis=1)
    tab_s = jnp.concatenate(
        [x1t.reshape(B * N1, 3), jnp.zeros((B * N1, 125), jnp.float32)], axis=1)

    ga = _sc_gather(tab_a, idx_a.reshape(-1))
    gb = _sc_gather(tab_b, idx_b.reshape(-1))
    gs = _sc_gather(tab_s, idx_s.reshape(-1))
    gst = jnp.transpose(gs[:, :3])

    npo, npwo, qk = _k2(p1t, x1t, ga.reshape(B * N1, _K, 128),
                        gb.reshape(B * N1, _K, 128), w0, b0, w1, b1)
    cost_tab = _k3(qk, npo, npwo, B, N1)

    x1rt = jnp.repeat(jnp.transpose(x1t.reshape(B * N1, 3)), _K, axis=1)
    y2, stats = _w1(gst, x1rt, wn_w0, wn_b0, wn_w1, wn_b1, wn_w2, wn_b2)

    gc = _sc_gather(cost_tab, idx_s.reshape(-1))
    pc, pcw = _w2(y2, gc, stats, wn_w2, wn_b2)
    pc = jnp.transpose(pc.reshape(B, N1, M), (0, 2, 1))
    pcw = jnp.transpose(pcw.reshape(B, N1, M), (0, 2, 1))
    return pc, pcw

# --- scband reference (transcript-rebuilt; emitter-appended) ---
"""Pipeline reference for scband-point-conv-trans-flow-9354438770926 (READ-ONLY COPY).

The authoritative reference and input builder live on the scoring server;
editing this copy changes nothing except your own understanding.
"""

import jax, jax.numpy as jnp
import numpy as np
import math

NSAMPLE = 16
ATTN_TEMP = 1.0


def knn(k, query, database):
    # query [B,N1,3], database [B,N2,3] -> (dist, idx) like pointutils.knn
    d = (jnp.sum(query ** 2, -1, keepdims=True)
         + jnp.sum(database ** 2, -1)[:, None, :]
         - 2.0 * jnp.einsum('bnc,bmc->bnm', query, database))
    neg_d, idx = jax.lax.top_k(-d, k)
    return -neg_d, idx


def group(points, idx):
    # points [B,N2,C], idx [B,N1,K] -> [B,N1,K,C]  (index_points_group)
    B = points.shape[0]
    return points[jnp.arange(B)[:, None, None], idx]


def conv1x1(x, w, b):
    # x [B,C,K,N], w [O,C], b [O] -> [B,O,K,N] (nn.Conv2d 1x1)
    return jnp.einsum('oc,bckn->bokn', w, x) + b[None, :, None, None]


def batchnorm(x):
    # BatchNorm2d in training mode, affine at init (gamma=1, beta=0)
    mean = jnp.mean(x, axis=(0, 2, 3), keepdims=True)
    var = jnp.var(x, axis=(0, 2, 3), keepdims=True)
    return (x - mean) / jnp.sqrt(var + 1e-5)


def leaky_relu(x):
    return jnp.where(x >= 0, x, 0.1 * x)


def setup_inputs(seed: int = 0):
    key = jax.random.key(seed)
    ks = jax.random.split(key, 16)
    B, N1, N2, D, M = 2, 4096, 4096, 64, 64
    Cin = 2 * D + 3
    return {
        'xyz1': jax.random.normal(ks[0], (B, 3, N1), jnp.float32),
        'xyz2': jax.random.normal(ks[1], (B, 3, N2), jnp.float32),
        'xyz2w': jax.random.normal(ks[2], (B, 3, N2), jnp.float32),
        'points1': jax.random.normal(ks[3], (B, D, N1), jnp.float32),
        'points2': jax.random.normal(ks[4], (B, D, N2), jnp.float32),
        'w0': jax.random.normal(ks[5], (M, Cin), jnp.float32) / math.sqrt(Cin),
        'b0': jnp.zeros((M,), jnp.float32),
        'w1': jax.random.normal(ks[6], (M, M), jnp.float32) / math.sqrt(M),
        'b1': jnp.zeros((M,), jnp.float32),
        'wn_w0': jax.random.normal(ks[7], (8, 3), jnp.float32) * 0.5,
        'wn_b0': jnp.zeros((8,), jnp.float32),
        'wn_w1': jax.random.normal(ks[8], (8, 8), jnp.float32) * 0.35,
        'wn_b1': jnp.zeros((8,), jnp.float32),
        'wn_w2': jax.random.normal(ks[9], (M, 8), jnp.float32) * 0.35,
        'wn_b2': jnp.zeros((M,), jnp.float32),
    }


def reference(xyz1, xyz2, xyz2w, points1, points2, w0, b0, w1, b1,
              wn_w0, wn_b0, wn_w1, wn_b1, wn_w2, wn_b2):
    B, C, N1 = xyz1.shape
    K = NSAMPLE
    xyz1t = jnp.transpose(xyz1, (0, 2, 1))
    xyz2t = jnp.transpose(xyz2, (0, 2, 1))
    xyz2wt = jnp.transpose(xyz2w, (0, 2, 1))
    p1 = jnp.transpose(points1, (0, 2, 1))
    p2 = jnp.transpose(points2, (0, 2, 1))
    D1 = p1.shape[2]

    _, knn_idx = knn(K, xyz1t, xyz2t)
    neighbor_xyz = group(xyz2t, knn_idx)
    direction_xyz = neighbor_xyz - xyz1t[:, :, None, :]

    _, knn_idxw = knn(K, xyz1t, xyz2wt)
    neighbor_xyzw = group(xyz2wt, knn_idxw)
    direction_xyzw = neighbor_xyzw - xyz1t[:, :, None, :]

    grouped_p2 = group(p2, knn_idx)
    grouped_p1 = jnp.broadcast_to(p1[:, :, None, :], (B, N1, K, D1))
    new_points = jnp.concatenate([grouped_p1, grouped_p2, direction_xyz], axis=-1)
    new_points = jnp.transpose(new_points, (0, 3, 2, 1))  # [B,Cin,K,N1]
    new_points = leaky_relu(conv1x1(new_points, w0, b0))
    new_points = leaky_relu(conv1x1(new_points, w1, b1))  # [B,M,K,N1]

    grouped_p2w = group(p2, knn_idxw)
    new_pointsw = jnp.concatenate([grouped_p1, grouped_p2w, direction_xyzw], axis=-1)
    new_pointsw = jnp.transpose(new_pointsw, (0, 3, 2, 1))
    new_pointsw = leaky_relu(conv1x1(new_pointsw, w0, b0))
    new_pointsw = leaky_relu(conv1x1(new_pointsw, w1, b1))  # [B,M,K,N1]

    weight_qk = jnp.matmul(new_points, jnp.transpose(new_pointsw, (0, 1, 3, 2)))  # [B,M,K,K]
    weight_qk = jax.nn.softmax(weight_qk / ATTN_TEMP, axis=-1) / math.sqrt(C)
    weight_qk = jnp.clip(weight_qk, 1e-10, None)

    new_pointsw2 = jnp.matmul(jnp.transpose(new_pointsw, (0, 1, 3, 2)), weight_qk)  # [B,M,N1,K]
    point_to_patch_costw = jnp.sum(new_pointsw2, axis=-1)  # [B,M,N1]
    new_points2 = jnp.matmul(weight_qk, new_points)  # [B,M,K,N1]
    point_to_patch_cost = jnp.sum(new_points2, axis=-2)  # [B,M,N1]

    _, self_idx = knn(K, xyz1t, xyz1t)
    neighbor_self = group(xyz1t, self_idx)
    dir_self = neighbor_self - xyz1t[:, :, None, :]
    w = jnp.transpose(dir_self, (0, 3, 2, 1))  # [B,3,K,N1]
    w = jax.nn.relu(batchnorm(conv1x1(w, wn_w0, wn_b0)))
    w = jax.nn.relu(batchnorm(conv1x1(w, wn_w1, wn_b1)))
    w = jax.nn.relu(batchnorm(conv1x1(w, wn_w2, wn_b2)))  # [B,M,K,N1]

    g_cost = group(jnp.transpose(point_to_patch_cost, (0, 2, 1)), self_idx)    # [B,N1,K,M]
    g_costw = group(jnp.transpose(point_to_patch_costw, (0, 2, 1)), self_idx)  # [B,N1,K,M]
    wp = jnp.transpose(w, (0, 3, 2, 1))  # [B,N1,K,M]
    patch_cost = jnp.sum(wp * g_cost, axis=2)    # [B,N1,M]
    patch_costw = jnp.sum(wp * g_costw, axis=2)  # [B,N1,M]
    return (jnp.transpose(patch_cost, (0, 2, 1)), jnp.transpose(patch_costw, (0, 2, 1)))

if __name__ == "__main__":
    import jax
    _d = setup_inputs()
    print(jax.jit(kernel)(*tuple(_d.values())))

</pallas_src>

<mosaic_0001>
#map = affine_map<(d0, d1) -> (0, 0)>
#map1 = affine_map<(d0, d1) -> (0)>
module attributes {stable_mosaic.version = 14 : i64} {
  func.func @gk(%arg0: i32, %arg1: i32, %arg2: memref<8192x128xf32, #tpu.memory_space<hbm>>, %arg3: memref<131072xi32, #tpu.memory_space<hbm>>, %arg4: memref<131072x128xf32, #tpu.memory_space<hbm>>, %arg5: memref<128xi32, #tpu.memory_space<vmem>>, %arg6: memref<128x128xf32, #tpu.memory_space<vmem>>, %arg7: memref<!tpu.dma_semaphore, #tpu.memory_space<semaphore_mem>>) attributes {dimension_semantics = [#tpu.dimension_semantics<core_parallel>, #tpu.dimension_semantics<subcore_parallel>], iteration_bounds = array<i64: 2, 16>, scalar_prefetch = 0 : i64, scratch_operands = 3 : i64, tpu.core_type = #tpu.core_type<sc_vector_subcore>, window_params = [{transform_indices = #map}, {transform_indices = #map1}, {transform_indices = #map}]} {
    %mul3A = arith.constant 2 : i32
    %mul3A_0 = arith.muli %arg1, %mul3A : i32
    %add3A = arith.addi %mul3A_0, %arg0 : i32
    %mul3A_1 = arith.constant 4096 : i32
    %mul3A_2 = arith.muli %add3A, %mul3A_1 : i32
    %scan3A = arith.constant 0 : i32
    %scan3A_3 = arith.constant 32 : i32
    %scan3A_4 = arith.addi %scan3A, %scan3A_3 : i32
    %scan3A_5 = arith.constant 1 : i32
    scf.for %scan3A_7 = %scan3A to %scan3A_4 step %scan3A_5  : i32 {
      %mul3A_8 = arith.constant 1 : i32
      %mul3A_9 = arith.muli %scan3A_7, %mul3A_8 : i32
      %add3A_10 = arith.constant 0 : i32
      %add3A_11 = arith.addi %add3A_10, %mul3A_9 : i32
      %mul3A_12 = arith.constant 128 : i32
      %mul3A_13 = arith.muli %add3A_11, %mul3A_12 : i32
      %add3A_14 = arith.addi %mul3A_2, %mul3A_13 : i32
      "tpu.region"() ({
        %run_scoped3A = tpu.sem_alloc : memref<!tpu.dma_semaphore, #tpu.memory_space<semaphore_mem>>
        %dma_start3A_19 = tpu.memref_slice %arg3[%add3A_14] : memref<131072xi32, #tpu.memory_space<hbm>> -> memref<128xi32, #tpu.memory_space<hbm>>
        %dma_start3A_20 = tpu.memref_slice %arg3[%add3A_14] : memref<131072xi32, #tpu.memory_space<hbm>> -> memref<128xi32, #tpu.memory_space<hbm>>
        tpu.enqueue_dma source(%dma_start3A_20 : memref<128xi32, #tpu.memory_space<hbm>>) target(%arg5 : memref<128xi32, #tpu.memory_space<vmem>>) target_semaphore(%run_scoped3A : memref<!tpu.dma_semaphore, #tpu.memory_space<semaphore_mem>>)
        %dma_wait3A_21 = tpu.memref_slice %arg3[%add3A_14] : memref<131072xi32, #tpu.memory_space<hbm>> -> memref<128xi32, #tpu.memory_space<hbm>>
        %dma_wait3A_22 = tpu.memref_slice %arg3[%add3A_14] : memref<131072xi32, #tpu.memory_space<hbm>> -> memref<128xi32, #tpu.memory_space<hbm>>
        tpu.wait_dma2 semaphore(%run_scoped3A : memref<!tpu.dma_semaphore, #tpu.memory_space<semaphore_mem>>) src(%dma_wait3A_22 : memref<128xi32, #tpu.memory_space<hbm>>) dst(%arg5 : memref<128xi32, #tpu.memory_space<vmem>>)
        tpu.yield
      }) : () -> ()
      %dma_start3A = arith.constant 0 : i32
      %dma_start3A_15 = arith.constant 0 : i32
      %dma_start3A_16 = tpu.memref_slice %arg2[%dma_start3A, %dma_start3A_15] : memref<8192x128xf32, #tpu.memory_space<hbm>> -> memref<8192x128xf32, #tpu.memory_space<hbm>>
      tpu.enqueue_indirect_dma source(%dma_start3A_16 : memref<8192x128xf32, #tpu.memory_space<hbm>>) target(%arg6 : memref<128x128xf32, #tpu.memory_space<vmem>>) offsets(%arg5 : memref<128xi32, #tpu.memory_space<vmem>>) semaphore(%arg7 : memref<!tpu.dma_semaphore, #tpu.memory_space<semaphore_mem>>)
      %dma_wait3A = arith.constant 0 : i32
      %dma_wait3A_17 = arith.constant 0 : i32
      %dma_wait3A_18 = tpu.memref_slice %arg2[%dma_wait3A, %dma_wait3A_17] : memref<8192x128xf32, #tpu.memory_space<hbm>> -> memref<8192x128xf32, #tpu.memory_space<hbm>>
      tpu.wait_indirect_dma semaphore(%arg7 : memref<!tpu.dma_semaphore, #tpu.memory_space<semaphore_mem>>) src(%dma_wait3A_18 : memref<8192x128xf32, #tpu.memory_space<hbm>>) dst(%arg6 : memref<128x128xf32, #tpu.memory_space<vmem>>)
      "tpu.region"() ({
        %run_scoped3A = tpu.sem_alloc : memref<!tpu.dma_semaphore, #tpu.memory_space<semaphore_mem>>
        %dma_start3A_19 = arith.constant 0 : i32
        %dma_start3A_20 = tpu.memref_slice %arg4[%add3A_14, %dma_start3A_19] : memref<131072x128xf32, #tpu.memory_space<hbm>> -> memref<128x128xf32, #tpu.memory_space<hbm>>
        %dma_start3A_21 = arith.constant 0 : i32
        %dma_start3A_22 = tpu.memref_slice %arg4[%add3A_14, %dma_start3A_21] : memref<131072x128xf32, #tpu.memory_space<hbm>> -> memref<128x128xf32, #tpu.memory_space<hbm>>
        tpu.enqueue_dma source(%arg6 : memref<128x128xf32, #tpu.memory_space<vmem>>) target(%dma_start3A_22 : memref<128x128xf32, #tpu.memory_space<hbm>>) target_semaphore(%run_scoped3A : memref<!tpu.dma_semaphore, #tpu.memory_space<semaphore_mem>>)
        %dma_wait3A_23 = arith.constant 0 : i32
        %dma_wait3A_24 = tpu.memref_slice %arg4[%add3A_14, %dma_wait3A_23] : memref<131072x128xf32, #tpu.memory_space<hbm>> -> memref<128x128xf32, #tpu.memory_space<hbm>>
        %dma_wait3A_25 = arith.constant 0 : i32
        %dma_wait3A_26 = tpu.memref_slice %arg4[%add3A_14, %dma_wait3A_25] : memref<131072x128xf32, #tpu.memory_space<hbm>> -> memref<128x128xf32, #tpu.memory_space<hbm>>
        tpu.wait_dma2 semaphore(%run_scoped3A : memref<!tpu.dma_semaphore, #tpu.memory_space<semaphore_mem>>) src(%arg6 : memref<128x128xf32, #tpu.memory_space<vmem>>) dst(%dma_wait3A_26 : memref<128x128xf32, #tpu.memory_space<hbm>>)
        tpu.yield
      }) : () -> ()
    }
    %scan3A_6 = arith.constant 32 : i32
    return
  }
}

#map = affine_map<(d0, d1) -> (0, 0)>
#map1 = affine_map<(d0, d1) -> (0)>
module attributes {stable_mosaic.version = 14 : i64} {
  func.func @gk(%arg0: i32, %arg1: i32, %arg2: memref<8192x128xf32, #tpu.memory_space<hbm>>, %arg3: memref<131072xi32, #tpu.memory_space<hbm>>, %arg4: memref<131072x128xf32, #tpu.memory_space<hbm>>, %arg5: memref<128xi32, #tpu.memory_space<vmem>>, %arg6: memref<128x128xf32, #tpu.memory_space<vmem>>, %arg7: memref<!tpu.dma_semaphore, #tpu.memory_space<semaphore_mem>>) attributes {dimension_semantics = [#tpu.dimension_semantics<core_parallel>, #tpu.dimension_semantics<subcore_parallel>], iteration_bounds = array<i64: 2, 16>, scalar_prefetch = 0 : i64, scratch_operands = 3 : i64, tpu.core_type = #tpu.core_type<sc_vector_subcore>, window_params = [{transform_indices = #map}, {transform_indices = #map1}, {transform_indices = #map}]} {
    %mul3A = arith.constant 2 : i32
    %mul3A_0 = arith.muli %arg1, %mul3A : i32
    %add3A = arith.addi %mul3A_0, %arg0 : i32
    %mul3A_1 = arith.constant 4096 : i32
    %mul3A_2 = arith.muli %add3A, %mul3A_1 : i32
    %scan3A = arith.constant 0 : i32
    %scan3A_3 = arith.constant 32 : i32
    %scan3A_4 = arith.addi %scan3A, %scan3A_3 : i32
    %scan3A_5 = arith.constant 1 : i32
    scf.for %scan3A_7 = %scan3A to %scan3A_4 step %scan3A_5  : i32 {
      %mul3A_8 = arith.constant 1 : i32
      %mul3A_9 = arith.muli %scan3A_7, %mul3A_8 : i32
      %add3A_10 = arith.constant 0 : i32
      %add3A_11 = arith.addi %add3A_10, %mul3A_9 : i32
      %mul3A_12 = arith.constant 128 : i32
      %mul3A_13 = arith.muli %add3A_11, %mul3A_12 : i32
      %add3A_14 = arith.addi %mul3A_2, %mul3A_13 : i32
      "tpu.region"() ({
        %run_scoped3A = tpu.sem_alloc : memref<!tpu.dma_semaphore, #tpu.memory_space<semaphore_mem>>
        %dma_start3A_19 = tpu.memref_slice %arg3[%add3A_14] : memref<131072xi32, #tpu.memory_space<hbm>> -> memref<128xi32, #tpu.memory_space<hbm>>
        %dma_start3A_20 = tpu.memref_slice %arg3[%add3A_14] : memref<131072xi32, #tpu.memory_space<hbm>> -> memref<128xi32, #tpu.memory_space<hbm>>
        tpu.enqueue_dma source(%dma_start3A_20 : memref<128xi32, #tpu.memory_space<hbm>>) target(%arg5 : memref<128xi32, #tpu.memory_space<vmem>>) target_semaphore(%run_scoped3A : memref<!tpu.dma_semaphore, #tpu.memory_space<semaphore_mem>>)
        %dma_wait3A_21 = tpu.memref_slice %arg3[%add3A_14] : memref<131072xi32, #tpu.memory_space<hbm>> -> memref<128xi32, #tpu.memory_space<hbm>>
        %dma_wait3A_22 = tpu.memref_slice %arg3[%add3A_14] : memref<131072xi32, #tpu.memory_space<hbm>> -> memref<128xi32, #tpu.memory_space<hbm>>
        tpu.wait_dma2 semaphore(%run_scoped3A : memref<!tpu.dma_semaphore, #tpu.memory_space<semaphore_mem>>) src(%dma_wait3A_22 : memref<128xi32, #tpu.memory_space<hbm>>) dst(%arg5 : memref<128xi32, #tpu.memory_space<vmem>>)
        tpu.yield
      }) : () -> ()
      %dma_start3A = arith.constant 0 : i32
      %dma_start3A_15 = arith.constant 0 : i32
      %dma_start3A_16 = tpu.memref_slice %arg2[%dma_start3A, %dma_start3A_15] : memref<8192x128xf32, #tpu.memory_space<hbm>> -> memref<8192x128xf32, #tpu.memory_space<hbm>>
      tpu.enqueue_indirect_dma source(%dma_start3A_16 : memref<8192x128xf32, #tpu.memory_space<hbm>>) target(%arg6 : memref<128x128xf32, #tpu.memory_space<vmem>>) offsets(%arg5 : memref<128xi32, #tpu.memory_space<vmem>>) semaphore(%arg7 : memref<!tpu.dma_semaphore, #tpu.memory_space<semaphore_mem>>)
      %dma_wait3A = arith.constant 0 : i32
      %dma_wait3A_17 = arith.constant 0 : i32
      %dma_wait3A_18 = tpu.memref_slice %arg2[%dma_wait3A, %dma_wait3A_17] : memref<8192x128xf32, #tpu.memory_space<hbm>> -> memref<8192x128xf32, #tpu.memory_space<hbm>>
      tpu.wait_indirect_dma semaphore(%arg7 : memref<!tpu.dma_semaphore, #tpu.memory_space<semaphore_mem>>) src(%dma_wait3A_18 : memref<8192x128xf32, #tpu.memory_space<hbm>>) dst(%arg6 : memref<128x128xf32, #tpu.memory_space<vmem>>)
      "tpu.region"() ({
        %run_scoped3A = tpu.sem_alloc : memref<!tpu.dma_semaphore, #tpu.memory_space<semaphore_mem>>
        %dma_start3A_19 = arith.constant 0 : i32
        %dma_start3A_20 = tpu.memref_slice %arg4[%add3A_14, %dma_start3A_19] : memref<131072x128xf32, #tpu.memory_space<hbm>> -> memref<128x128xf32, #tpu.memory_space<hbm>>
        %dma_start3A_21 = arith.constant 0 : i32
        %dma_start3A_22 = tpu.memref_slice %arg4[%add3A_14, %dma_start3A_21] : memref<131072x128xf32, #tpu.memory_space<hbm>> -> memref<128x128xf32, #tpu.memory_space<hbm>>
        tpu.enqueue_dma source(%arg6 : memref<128x128xf32, #tpu.memory_space<vmem>>) target(%dma_start3A_22 : memref<128x128xf32, #tpu.memory_space<hbm>>) target_semaphore(%run_scoped3A : memref<!tpu.dma_semaphore, #tpu.memory_space<semaphore_mem>>)
        %dma_wait3A_23 = arith.constant 0 : i32
        %dma_wait3A_24 = tpu.memref_slice %arg4[%add3A_14, %dma_wait3A_23] : memref<131072x128xf32, #tpu.memory_space<hbm>> -> memref<128x128xf32, #tpu.memory_space<hbm>>
        %dma_wait3A_25 = arith.constant 0 : i32
        %dma_wait3A_26 = tpu.memref_slice %arg4[%add3A_14, %dma_wait3A_25] : memref<131072x128xf32, #tpu.memory_space<hbm>> -> memref<128x128xf32, #tpu.memory_space<hbm>>
        tpu.wait_dma2 semaphore(%run_scoped3A : memref<!tpu.dma_semaphore, #tpu.memory_space<semaphore_mem>>) src(%arg6 : memref<128x128xf32, #tpu.memory_space<vmem>>) dst(%dma_wait3A_26 : memref<128x128xf32, #tpu.memory_space<hbm>>)
        tpu.yield
      }) : () -> ()
    }
    %scan3A_6 = arith.constant 32 : i32
    return
  }
}

#map = affine_map<(d0, d1) -> (0, 0)>
#map1 = affine_map<(d0, d1) -> (0)>
module attributes {stable_mosaic.version = 14 : i64} {
  func.func @gk(%arg0: i32, %arg1: i32, %arg2: memref<8192x128xf32, #tpu.memory_space<hbm>>, %arg3: memref<131072xi32, #tpu.memory_space<hbm>>, %arg4: memref<131072x128xf32, #tpu.memory_space<hbm>>, %arg5: memref<128xi32, #tpu.memory_space<vmem>>, %arg6: memref<128x128xf32, #tpu.memory_space<vmem>>, %arg7: memref<!tpu.dma_semaphore, #tpu.memory_space<semaphore_mem>>) attributes {dimension_semantics = [#tpu.dimension_semantics<core_parallel>, #tpu.dimension_semantics<subcore_parallel>], iteration_bounds = array<i64: 2, 16>, scalar_prefetch = 0 : i64, scratch_operands = 3 : i64, tpu.core_type = #tpu.core_type<sc_vector_subcore>, window_params = [{transform_indices = #map}, {transform_indices = #map1}, {transform_indices = #map}]} {
    %mul3A = arith.constant 2 : i32
    %mul3A_0 = arith.muli %arg1, %mul3A : i32
    %add3A = arith.addi %mul3A_0, %arg0 : i32
    %mul3A_1 = arith.constant 4096 : i32
    %mul3A_2 = arith.muli %add3A, %mul3A_1 : i32
    %scan3A = arith.constant 0 : i32
    %scan3A_3 = arith.constant 32 : i32
    %scan3A_4 = arith.addi %scan3A, %scan3A_3 : i32
    %scan3A_5 = arith.constant 1 : i32
    scf.for %scan3A_7 = %scan3A to %scan3A_4 step %scan3A_5  : i32 {
      %mul3A_8 = arith.constant 1 : i32
      %mul3A_9 = arith.muli %scan3A_7, %mul3A_8 : i32
      %add3A_10 = arith.constant 0 : i32
      %add3A_11 = arith.addi %add3A_10, %mul3A_9 : i32
      %mul3A_12 = arith.constant 128 : i32
      %mul3A_13 = arith.muli %add3A_11, %mul3A_12 : i32
      %add3A_14 = arith.addi %mul3A_2, %mul3A_13 : i32
      "tpu.region"() ({
        %run_scoped3A = tpu.sem_alloc : memref<!tpu.dma_semaphore, #tpu.memory_space<semaphore_mem>>
        %dma_start3A_19 = tpu.memref_slice %arg3[%add3A_14] : memref<131072xi32, #tpu.memory_space<hbm>> -> memref<128xi32, #tpu.memory_space<hbm>>
        %dma_start3A_20 = tpu.memref_slice %arg3[%add3A_14] : memref<131072xi32, #tpu.memory_space<hbm>> -> memref<128xi32, #tpu.memory_space<hbm>>
        tpu.enqueue_dma source(%dma_start3A_20 : memref<128xi32, #tpu.memory_space<hbm>>) target(%arg5 : memref<128xi32, #tpu.memory_space<vmem>>) target_semaphore(%run_scoped3A : memref<!tpu.dma_semaphore, #tpu.memory_space<semaphore_mem>>)
        %dma_wait3A_21 = tpu.memref_slice %arg3[%add3A_14] : memref<131072xi32, #tpu.memory_space<hbm>> -> memref<128xi32, #tpu.memory_space<hbm>>
        %dma_wait3A_22 = tpu.memref_slice %arg3[%add3A_14] : memref<131072xi32, #tpu.memory_space<hbm>> -> memref<128xi32, #tpu.memory_space<hbm>>
        tpu.wait_dma2 semaphore(%run_scoped3A : memref<!tpu.dma_semaphore, #tpu.memory_space<semaphore_mem>>) src(%dma_wait3A_22 : memref<128xi32, #tpu.memory_space<hbm>>) dst(%arg5 : memref<128xi32, #tpu.memory_space<vmem>>)
        tpu.yield
      }) : () -> ()
      %dma_start3A = arith.constant 0 : i32
      %dma_start3A_15 = arith.constant 0 : i32
      %dma_start3A_16 = tpu.memref_slice %arg2[%dma_start3A, %dma_start3A_15] : memref<8192x128xf32, #tpu.memory_space<hbm>> -> memref<8192x128xf32, #tpu.memory_space<hbm>>
      tpu.enqueue_indirect_dma source(%dma_start3A_16 : memref<8192x128xf32, #tpu.memory_space<hbm>>) target(%arg6 : memref<128x128xf32, #tpu.memory_space<vmem>>) offsets(%arg5 : memref<128xi32, #tpu.memory_space<vmem>>) semaphore(%arg7 : memref<!tpu.dma_semaphore, #tpu.memory_space<semaphore_mem>>)
      %dma_wait3A = arith.constant 0 : i32
      %dma_wait3A_17 = arith.constant 0 : i32
      %dma_wait3A_18 = tpu.memref_slice %arg2[%dma_wait3A, %dma_wait3A_17] : memref<8192x128xf32, #tpu.memory_space<hbm>> -> memref<8192x128xf32, #tpu.memory_space<hbm>>
      tpu.wait_indirect_dma semaphore(%arg7 : memref<!tpu.dma_semaphore, #tpu.memory_space<semaphore_mem>>) src(%dma_wait3A_18 : memref<8192x128xf32, #tpu.memory_space<hbm>>) dst(%arg6 : memref<128x128xf32, #tpu.memory_space<vmem>>)
      "tpu.region"() ({
        %run_scoped3A = tpu.sem_alloc : memref<!tpu.dma_semaphore, #tpu.memory_space<semaphore_mem>>
        %dma_start3A_19 = arith.constant 0 : i32
        %dma_start3A_20 = tpu.memref_slice %arg4[%add3A_14, %dma_start3A_19] : memref<131072x128xf32, #tpu.memory_space<hbm>> -> memref<128x128xf32, #tpu.memory_space<hbm>>
        %dma_start3A_21 = arith.constant 0 : i32
        %dma_start3A_22 = tpu.memref_slice %arg4[%add3A_14, %dma_start3A_21] : memref<131072x128xf32, #tpu.memory_space<hbm>> -> memref<128x128xf32, #tpu.memory_space<hbm>>
        tpu.enqueue_dma source(%arg6 : memref<128x128xf32, #tpu.memory_space<vmem>>) target(%dma_start3A_22 : memref<128x128xf32, #tpu.memory_space<hbm>>) target_semaphore(%run_scoped3A : memref<!tpu.dma_semaphore, #tpu.memory_space<semaphore_mem>>)
        %dma_wait3A_23 = arith.constant 0 : i32
        %dma_wait3A_24 = tpu.memref_slice %arg4[%add3A_14, %dma_wait3A_23] : memref<131072x128xf32, #tpu.memory_space<hbm>> -> memref<128x128xf32, #tpu.memory_space<hbm>>
        %dma_wait3A_25 = arith.constant 0 : i32
        %dma_wait3A_26 = tpu.memref_slice %arg4[%add3A_14, %dma_wait3A_25] : memref<131072x128xf32, #tpu.memory_space<hbm>> -> memref<128x128xf32, #tpu.memory_space<hbm>>
        tpu.wait_dma2 semaphore(%run_scoped3A : memref<!tpu.dma_semaphore, #tpu.memory_space<semaphore_mem>>) src(%arg6 : memref<128x128xf32, #tpu.memory_space<vmem>>) dst(%dma_wait3A_26 : memref<128x128xf32, #tpu.memory_space<hbm>>)
        tpu.yield
      }) : () -> ()
    }
    %scan3A_6 = arith.constant 32 : i32
    return
  }
}

#map = affine_map<(d0, d1) -> (0, 0)>
#map1 = affine_map<(d0, d1) -> (0)>
module attributes {stable_mosaic.version = 14 : i64} {
  func.func @gk(%arg0: i32, %arg1: i32, %arg2: memref<8192x128xf32, #tpu.memory_space<hbm>>, %arg3: memref<131072xi32, #tpu.memory_space<hbm>>, %arg4: memref<131072x128xf32, #tpu.memory_space<hbm>>, %arg5: memref<128xi32, #tpu.memory_space<vmem>>, %arg6: memref<128x128xf32, #tpu.memory_space<vmem>>, %arg7: memref<!tpu.dma_semaphore, #tpu.memory_space<semaphore_mem>>) attributes {dimension_semantics = [#tpu.dimension_semantics<core_parallel>, #tpu.dimension_semantics<subcore_parallel>], iteration_bounds = array<i64: 2, 16>, scalar_prefetch = 0 : i64, scratch_operands = 3 : i64, tpu.core_type = #tpu.core_type<sc_vector_subcore>, window_params = [{transform_indices = #map}, {transform_indices = #map1}, {transform_indices = #map}]} {
    %mul3A = arith.constant 2 : i32
    %mul3A_0 = arith.muli %arg1, %mul3A : i32
    %add3A = arith.addi %mul3A_0, %arg0 : i32
    %mul3A_1 = arith.constant 4096 : i32
    %mul3A_2 = arith.muli %add3A, %mul3A_1 : i32
    %scan3A = arith.constant 0 : i32
    %scan3A_3 = arith.constant 32 : i32
    %scan3A_4 = arith.addi %scan3A, %scan3A_3 : i32
    %scan3A_5 = arith.constant 1 : i32
    scf.for %scan3A_7 = %scan3A to %scan3A_4 step %scan3A_5  : i32 {
      %mul3A_8 = arith.constant 1 : i32
      %mul3A_9 = arith.muli %scan3A_7, %mul3A_8 : i32
      %add3A_10 = arith.constant 0 : i32
      %add3A_11 = arith.addi %add3A_10, %mul3A_9 : i32
      %mul3A_12 = arith.constant 128 : i32
      %mul3A_13 = arith.muli %add3A_11, %mul3A_12 : i32
      %add3A_14 = arith.addi %mul3A_2, %mul3A_13 : i32
      "tpu.region"() ({
        %run_scoped3A = tpu.sem_alloc : memref<!tpu.dma_semaphore, #tpu.memory_space<semaphore_mem>>
        %dma_start3A_19 = tpu.memref_slice %arg3[%add3A_14] : memref<131072xi32, #tpu.memory_space<hbm>> -> memref<128xi32, #tpu.memory_space<hbm>>
        %dma_start3A_20 = tpu.memref_slice %arg3[%add3A_14] : memref<131072xi32, #tpu.memory_space<hbm>> -> memref<128xi32, #tpu.memory_space<hbm>>
        tpu.enqueue_dma source(%dma_start3A_20 : memref<128xi32, #tpu.memory_space<hbm>>) target(%arg5 : memref<128xi32, #tpu.memory_space<vmem>>) target_semaphore(%run_scoped3A : memref<!tpu.dma_semaphore, #tpu.memory_space<semaphore_mem>>)
        %dma_wait3A_21 = tpu.memref_slice %arg3[%add3A_14] : memref<131072xi32, #tpu.memory_space<hbm>> -> memref<128xi32, #tpu.memory_space<hbm>>
        %dma_wait3A_22 = tpu.memref_slice %arg3[%add3A_14] : memref<131072xi32, #tpu.memory_space<hbm>> -> memref<128xi32, #tpu.memory_space<hbm>>
        tpu.wait_dma2 semaphore(%run_scoped3A : memref<!tpu.dma_semaphore, #tpu.memory_space<semaphore_mem>>) src(%dma_wait3A_22 : memref<128xi32, #tpu.memory_space<hbm>>) dst(%arg5 : memref<128xi32, #tpu.memory_space<vmem>>)
        tpu.yield
      }) : () -> ()
      %dma_start3A = arith.constant 0 : i32
      %dma_start3A_15 = arith.constant 0 : i32
      %dma_start3A_16 = tpu.memref_slice %arg2[%dma_start3A, %dma_start3A_15] : memref<8192x128xf32, #tpu.memory_space<hbm>> -> memref<8192x128xf32, #tpu.memory_space<hbm>>
      tpu.enqueue_indirect_dma source(%dma_start3A_16 : memref<8192x128xf32, #tpu.memory_space<hbm>>) target(%arg6 : memref<128x128xf32, #tpu.memory_space<vmem>>) offsets(%arg5 : memref<128xi32, #tpu.memory_space<vmem>>) semaphore(%arg7 : memref<!tpu.dma_semaphore, #tpu.memory_space<semaphore_mem>>)
      %dma_wait3A = arith.constant 0 : i32
      %dma_wait3A_17 = arith.constant 0 : i32
      %dma_wait3A_18 = tpu.memref_slice %arg2[%dma_wait3A, %dma_wait3A_17] : memref<8192x128xf32, #tpu.memory_space<hbm>> -> memref<8192x128xf32, #tpu.memory_space<hbm>>
      tpu.wait_indirect_dma semaphore(%arg7 : memref<!tpu.dma_semaphore, #tpu.memory_space<semaphore_mem>>) src(%dma_wait3A_18 : memref<8192x128xf32, #tpu.memory_space<hbm>>) dst(%arg6 : memref<128x128xf32, #tpu.memory_space<vmem>>)
      "tpu.region"() ({
        %run_scoped3A = tpu.sem_alloc : memref<!tpu.dma_semaphore, #tpu.memory_space<semaphore_mem>>
        %dma_start3A_19 = arith.constant 0 : i32
        %dma_start3A_20 = tpu.memref_slice %arg4[%add3A_14, %dma_start3A_19] : memref<131072x128xf32, #tpu.memory_space<hbm>> -> memref<128x128xf32, #tpu.memory_space<hbm>>
        %dma_start3A_21 = arith.constant 0 : i32
        %dma_start3A_22 = tpu.memref_slice %arg4[%add3A_14, %dma_start3A_21] : memref<131072x128xf32, #tpu.memory_space<hbm>> -> memref<128x128xf32, #tpu.memory_space<hbm>>
        tpu.enqueue_dma source(%arg6 : memref<128x128xf32, #tpu.memory_space<vmem>>) target(%dma_start3A_22 : memref<128x128xf32, #tpu.memory_space<hbm>>) target_semaphore(%run_scoped3A : memref<!tpu.dma_semaphore, #tpu.memory_space<semaphore_mem>>)
        %dma_wait3A_23 = arith.constant 0 : i32
        %dma_wait3A_24 = tpu.memref_slice %arg4[%add3A_14, %dma_wait3A_23] : memref<131072x128xf32, #tpu.memory_space<hbm>> -> memref<128x128xf32, #tpu.memory_space<hbm>>
        %dma_wait3A_25 = arith.constant 0 : i32
        %dma_wait3A_26 = tpu.memref_slice %arg4[%add3A_14, %dma_wait3A_25] : memref<131072x128xf32, #tpu.memory_space<hbm>> -> memref<128x128xf32, #tpu.memory_space<hbm>>
        tpu.wait_dma2 semaphore(%run_scoped3A : memref<!tpu.dma_semaphore, #tpu.memory_space<semaphore_mem>>) src(%arg6 : memref<128x128xf32, #tpu.memory_space<vmem>>) dst(%dma_wait3A_26 : memref<128x128xf32, #tpu.memory_space<hbm>>)
        tpu.yield
      }) : () -> ()
    }
    %scan3A_6 = arith.constant 32 : i32
    return
  }
}

module attributes {stable_mosaic.version = 14 : i64} {
  func.func @_knn_body(%arg0: i32, %arg1: i32, %arg2: memref<1x512x3xf32, #tpu.memory_space<vmem>>, %arg3: memref<1x4096x3xf32, #tpu.memory_space<vmem>>, %arg4: memref<1x512x16xi32, #tpu.memory_space<vmem>>) attributes {dimension_semantics = [#tpu.dimension_semantics<arbitrary>, #tpu.dimension_semantics<arbitrary>], iteration_bounds = array<i64: 2, 8>, scalar_prefetch = 0 : i64, scratch_operands = 0 : i64, tpu.core_type = #tpu.core_type<tc>, window_params = [{transform_indices = @transform_0, window_bounds = array<i64: 1, 512, 3>}, {transform_indices = @transform_1, window_bounds = array<i64: 1, 4096, 3>}, {transform_indices = @transform_2, window_bounds = array<i64: 1, 512, 16>}]} {
    %get3A = arith.constant 0 : index
    %get3A_0 = arith.constant 0 : index
    %get3A_1 = arith.constant 0 : index
    %get3A_2 = vector.load %arg2[%get3A, %get3A_0, %get3A_1] : memref<1x512x3xf32, #tpu.memory_space<vmem>>, vector<1x512x3xf32>
    %get3A_3 = vector.shape_cast %get3A_2 : vector<1x512x3xf32> to vector<512x3xf32>
    %get3A_4 = arith.constant 0 : index
    %get3A_5 = arith.constant 0 : index
    %get3A_6 = arith.constant 0 : index
    %get3A_7 = vector.load %arg3[%get3A_4, %get3A_5, %get3A_6] : memref<1x4096x3xf32, #tpu.memory_space<vmem>>, vector<1x4096x3xf32>
    %get3A_8 = vector.shape_cast %get3A_7 : vector<1x4096x3xf32> to vector<4096x3xf32>
    %mul3A = arith.mulf %get3A_3, %get3A_3 : vector<512x3xf32>
    %reduce_sum3A = arith.constant dense<0.000000e+00> : vector<512xf32>
    %reduce_sum3A_9 = vector.multi_reduction <add>, %mul3A, %reduce_sum3A [1] : vector<512x3xf32> to vector<512xf32>
    %broadcast_in_dim3A = vector.shape_cast %reduce_sum3A_9 : vector<512xf32> to vector<512x1xf32>
    %mul3A_10 = arith.mulf %get3A_8, %get3A_8 : vector<4096x3xf32>
    %reduce_sum3A_11 = arith.constant dense<0.000000e+00> : vector<4096xf32>
    %reduce_sum3A_12 = vector.multi_reduction <add>, %mul3A_10, %reduce_sum3A_11 [1] : vector<4096x3xf32> to vector<4096xf32>
    %broadcast_in_dim3A_13 = vector.shape_cast %reduce_sum3A_12 : vector<4096xf32> to vector<1x4096xf32>
    %dot_general3A = arith.constant dense<0.000000e+00> : vector<512x4096xf32>
    %dot_general3A_14 = tpu.matmul %get3A_3, %get3A_8, %dot_general3A {dimension_numbers = #tpu.dot_dimension_numbers<[1], [1], [0], [0], [0, 0, 1, 0], [], []>, transpose_lhs_hint = false} : vector<512x3xf32>, vector<4096x3xf32>, vector<512x4096xf32> -> vector<512x4096xf32>
    %add3A = vector.broadcast %broadcast_in_dim3A : vector<512x1xf32> to vector<512x4096xf32>
    %add3A_15 = vector.broadcast %broadcast_in_dim3A_13 : vector<1x4096xf32> to vector<512x4096xf32>
    %add3A_16 = arith.addf %add3A, %add3A_15 : vector<512x4096xf32>
    %mul3A_17 = arith.constant 2.000000e+00 : f32
    %mul3A_18 = vector.broadcast %mul3A_17 : f32 to vector<512x4096xf32>
    %mul3A_19 = arith.mulf %mul3A_18, %dot_general3A_14 : vector<512x4096xf32>
    %sub3A = arith.subf %add3A_16, %mul3A_19 : vector<512x4096xf32>
    %iota3A = tpu.iota {dimensions = array<i32: 1>} : vector<512x4096xi32>
    %iota3A_20 = tpu.iota {dimensions = array<i32: 1>} : vector<512x16xi32>
    %mul3A_21 = arith.constant 4096 : i32
    %mul3A_22 = arith.muli %arg0, %mul3A_21 : i32
    %broadcast_in_dim3A_23 = arith.constant 0 : i32
    %broadcast_in_dim3A_24 = vector.broadcast %broadcast_in_dim3A_23 : i32 to vector<512x16xi32>
    %reduce_min3A = arith.constant dense<0x7F800000> : vector<512xf32>
    %reduce_min3A_25 = vector.multi_reduction <minimumf>, %sub3A, %reduce_min3A [1] : vector<512x4096xf32> to vector<512xf32>
    %broadcast_in_dim3A_26 = vector.shape_cast %reduce_min3A_25 : vector<512xf32> to vector<512x1xf32>
    %eq3A = vector.broadcast %broadcast_in_dim3A_26 : vector<512x1xf32> to vector<512x4096xf32>
    %eq3A_27 = arith.cmpf oeq, %sub3A, %eq3A : vector<512x4096xf32>
    %jit3A = arith.constant 4096 : i32
    %broadcast_in_dim3A_28 = vector.broadcast %jit3A : i32 to vector<512x4096xi32>
    %select_n3A = arith.select %eq3A_27, %iota3A, %broadcast_in_dim3A_28 : vector<512x4096xi1>, vector<512x4096xi32>
    %reduce_min3A_29 = arith.constant dense<2147483647> : vector<512xi32>
    %reduce_min3A_30 = vector.multi_reduction <minsi>, %select_n3A, %reduce_min3A_29 [1] : vector<512x4096xi32> to vector<512xi32>
    %broadcast_in_dim3A_31 = vector.shape_cast %reduce_min3A_30 : vector<512xi32> to vector<512x1xi32>
    %eq3A_32 = arith.constant 0 : i32
    %eq3A_33 = vector.broadcast %eq3A_32 : i32 to vector<512x16xi32>
    %eq3A_34 = arith.cmpi eq, %iota3A_20, %eq3A_33 : vector<512x16xi32>
    %add3A_35 = vector.broadcast %mul3A_22 : i32 to vector<512x1xi32>
    %add3A_36 = arith.addi %broadcast_in_dim3A_31, %add3A_35 : vector<512x1xi32>
    %broadcast_in_dim3A_37 = vector.shape_cast %add3A_36 : vector<512x1xi32> to vector<512x1xi32>
    %broadcast_in_dim3A_38 = vector.broadcast %broadcast_in_dim3A_37 : vector<512x1xi32> to vector<512x16xi32>
    %select_n3A_39 = arith.select %eq3A_34, %broadcast_in_dim3A_38, %broadcast_in_dim3A_24 : vector<512x16xi1>, vector<512x16xi32>
    %eq3A_40 = vector.broadcast %broadcast_in_dim3A_31 : vector<512x1xi32> to vector<512x4096xi32>
    %eq3A_41 = arith.cmpi eq, %iota3A, %eq3A_40 : vector<512x4096xi32>
    %jit3A_42 = arith.constant 0x7F800000 : f32
    %broadcast_in_dim3A_43 = vector.broadcast %jit3A_42 : f32 to vector<512x4096xf32>
    %select_n3A_44 = arith.select %eq3A_41, %broadcast_in_dim3A_43, %sub3A : vector<512x4096xi1>, vector<512x4096xf32>
    %reduce_min3A_45 = arith.constant dense<0x7F800000> : vector<512xf32>
    %reduce_min3A_46 = vector.multi_reduction <minimumf>, %select_n3A_44, %reduce_min3A_45 [1] : vector<512x4096xf32> to vector<512xf32>
    %broadcast_in_dim3A_47 = vector.shape_cast %reduce_min3A_46 : vector<512xf32> to vector<512x1xf32>
    %eq3A_48 = vector.broadcast %broadcast_in_dim3A_47 : vector<512x1xf32> to vector<512x4096xf32>
    %eq3A_49 = arith.cmpf oeq, %select_n3A_44, %eq3A_48 : vector<512x4096xf32>
    %jit3A_50 = arith.constant 4096 : i32
    %broadcast_in_dim3A_51 = vector.broadcast %jit3A_50 : i32 to vector<512x4096xi32>
    %select_n3A_52 = arith.select %eq3A_49, %iota3A, %broadcast_in_dim3A_51 : vector<512x4096xi1>, vector<512x4096xi32>
    %reduce_min3A_53 = arith.constant dense<2147483647> : vector<512xi32>
    %reduce_min3A_54 = vector.multi_reduction <minsi>, %select_n3A_52, %reduce_min3A_53 [1] : vector<512x4096xi32> to vector<512xi32>
    %broadcast_in_dim3A_55 = vector.shape_cast %reduce_min3A_54 : vector<512xi32> to vector<512x1xi32>
    %eq3A_56 = arith.constant 1 : i32
    %eq3A_57 = vector.broadcast %eq3A_56 : i32 to vector<512x16xi32>
    %eq3A_58 = arith.cmpi eq, %iota3A_20, %eq3A_57 : vector<512x16xi32>
    %add3A_59 = vector.broadcast %mul3A_22 : i32 to vector<512x1xi32>
    %add3A_60 = arith.addi %broadcast_in_dim3A_55, %add3A_59 : vector<512x1xi32>
    %broadcast_in_dim3A_61 = vector.shape_cast %add3A_60 : vector<512x1xi32> to vector<512x1xi32>
    %broadcast_in_dim3A_62 = vector.broadcast %broadcast_in_dim3A_61 : vector<512x1xi32> to vector<512x16xi32>
    %select_n3A_63 = arith.select %eq3A_58, %broadcast_in_dim3A_62, %select_n3A_39 : vector<512x16xi1>, vector<512x16xi32>
    %eq3A_64 = vector.broadcast %broadcast_in_dim3A_55 : vector<512x1xi32> to vector<512x4096xi32>
    %eq3A_65 = arith.cmpi eq, %iota3A, %eq3A_64 : vector<512x4096xi32>
    %jit3A_66 = arith.constant 0x7F800000 : f32
    %broadcast_in_dim3A_67 = vector.broadcast %jit3A_66 : f32 to vector<512x4096xf32>
    %select_n3A_68 = arith.select %eq3A_65, %broadcast_in_dim3A_67, %select_n3A_44 : vector<512x4096xi1>, vector<512x4096xf32>
    %reduce_min3A_69 = arith.constant dense<0x7F800000> : vector<512xf32>
    %reduce_min3A_70 = vector.multi_reduction <minimumf>, %select_n3A_68, %reduce_min3A_69 [1] : vector<512x4096xf32> to vector<512xf32>
    %broadcast_in_dim3A_71 = vector.shape_cast %reduce_min3A_70 : vector<512xf32> to vector<512x1xf32>
    %eq3A_72 = vector.broadcast %broadcast_in_dim3A_71 : vector<512x1xf32> to vector<512x4096xf32>
    %eq3A_73 = arith.cmpf oeq, %select_n3A_68, %eq3A_72 : vector<512x4096xf32>
    %jit3A_74 = arith.constant 4096 : i32
    %broadcast_in_dim3A_75 = vector.broadcast %jit3A_74 : i32 to vector<512x4096xi32>
    %select_n3A_76 = arith.select %eq3A_73, %iota3A, %broadcast_in_dim3A_75 : vector<512x4096xi1>, vector<512x4096xi32>
    %reduce_min3A_77 = arith.constant dense<2147483647> : vector<512xi32>
    %reduce_min3A_78 = vector.multi_reduction <minsi>, %select_n3A_76, %reduce_min3A_77 [1] : vector<512x4096xi32> to vector<512xi32>
    %broadcast_in_dim3A_79 = vector.shape_cast %reduce_min3A_78 : vector<512xi32> to vector<512x1xi32>
    %eq3A_80 = arith.constant 2 : i32
    %eq3A_81 = vector.broadcast %eq3A_80 : i32 to vector<512x16xi32>
    %eq3A_82 = arith.cmpi eq, %iota3A_20, %eq3A_81 : vector<512x16xi32>
    %add3A_83 = vector.broadcast %mul3A_22 : i32 to vector<512x1xi32>
    %add3A_84 = arith.addi %broadcast_in_dim3A_79, %add3A_83 : vector<512x1xi32>
    %broadcast_in_dim3A_85 = vector.shape_cast %add3A_84 : vector<512x1xi32> to vector<512x1xi32>
    %broadcast_in_dim3A_86 = vector.broadcast %broadcast_in_dim3A_85 : vector<512x1xi32> to vector<512x16xi32>
    %select_n3A_87 = arith.select %eq3A_82, %broadcast_in_dim3A_86, %select_n3A_63 : vector<512x16xi1>, vector<512x16xi32>
    %eq3A_88 = vector.broadcast %broadcast_in_dim3A_79 : vector<512x1xi32> to vector<512x4096xi32>
    %eq3A_89 = arith.cmpi eq, %iota3A, %eq3A_88 : vector<512x4096xi32>
    %jit3A_90 = arith.constant 0x7F800000 : f32
    %broadcast_in_dim3A_91 = vector.broadcast %jit3A_90 : f32 to vector<512x4096xf32>
    %select_n3A_92 = arith.select %eq3A_89, %broadcast_in_dim3A_91, %select_n3A_68 : vector<512x4096xi1>, vector<512x4096xf32>
    %reduce_min3A_93 = arith.constant dense<0x7F800000> : vector<512xf32>
    %reduce_min3A_94 = vector.multi_reduction <minimumf>, %select_n3A_92, %reduce_min3A_93 [1] : vector<512x4096xf32> to vector<512xf32>
    %broadcast_in_dim3A_95 = vector.shape_cast %reduce_min3A_94 : vector<512xf32> to vector<512x1xf32>
    %eq3A_96 = vector.broadcast %broadcast_in_dim3A_95 : vector<512x1xf32> to vector<512x4096xf32>
    %eq3A_97 = arith.cmpf oeq, %select_n3A_92, %eq3A_96 : vector<512x4096xf32>
    %jit3A_98 = arith.constant 4096 : i32
    %broadcast_in_dim3A_99 = vector.broadcast %jit3A_98 : i32 to vector<512x4096xi32>
    %select_n3A_100 = arith.select %eq3A_97, %iota3A, %broadcast_in_dim3A_99 : vector<512x4096xi1>, vector<512x4096xi32>
    %reduce_min3A_101 = arith.constant dense<2147483647> : vector<512xi32>
    %reduce_min3A_102 = vector.multi_reduction <minsi>, %select_n3A_100, %reduce_min3A_101 [1] : vector<512x4096xi32> to vector<512xi32>
    %broadcast_in_dim3A_103 = vector.shape_cast %reduce_min3A_102 : vector<512xi32> to vector<512x1xi32>
    %eq3A_104 = arith.constant 3 : i32
    %eq3A_105 = vector.broadcast %eq3A_104 : i32 to vector<512x16xi32>
    %eq3A_106 = arith.cmpi eq, %iota3A_20, %eq3A_105 : vector<512x16xi32>
    %add3A_107 = vector.broadcast %mul3A_22 : i32 to vector<512x1xi32>
    %add3A_108 = arith.addi %broadcast_in_dim3A_103, %add3A_107 : vector<512x1xi32>
    %broadcast_in_dim3A_109 = vector.shape_cast %add3A_108 : vector<512x1xi32> to vector<512x1xi32>
    %broadcast_in_dim3A_110 = vector.broadcast %broadcast_in_dim3A_109 : vector<512x1xi32> to vector<512x16xi32>
    %select_n3A_111 = arith.select %eq3A_106, %broadcast_in_dim3A_110, %select_n3A_87 : vector<512x16xi1>, vector<512x16xi32>
    %eq3A_112 = vector.broadcast %broadcast_in_dim3A_103 : vector<512x1xi32> to vector<512x4096xi32>
    %eq3A_113 = arith.cmpi eq, %iota3A, %eq3A_112 : vector<512x4096xi32>
    %jit3A_114 = arith.constant 0x7F800000 : f32
    %broadcast_in_dim3A_115 = vector.broadcast %jit3A_114 : f32 to vector<512x4096xf32>
    %select_n3A_116 = arith.select %eq3A_113, %broadcast_in_dim3A_115, %select_n3A_92 : vector<512x4096xi1>, vector<512x4096xf32>
    %reduce_min3A_117 = arith.constant dense<0x7F800000> : vector<512xf32>
    %reduce_min3A_118 = vector.multi_reduction <minimumf>, %select_n3A_116, %reduce_min3A_117 [1] : vector<512x4096xf32> to vector<512xf32>
    %broadcast_in_dim3A_119 = vector.shape_cast %reduce_min3A_118 : vector<512xf32> to vector<512x1xf32>
    %eq3A_120 = vector.broadcast %broadcast_in_dim3A_119 : vector<512x1xf32> to vector<512x4096xf32>
    %eq3A_121 = arith.cmpf oeq, %select_n3A_116, %eq3A_120 : vector<512x4096xf32>
    %jit3A_122 = arith.constant 4096 : i32
    %broadcast_in_dim3A_123 = vector.broadcast %jit3A_122 : i32 to vector<512x4096xi32>
    %select_n3A_124 = arith.select %eq3A_121, %iota3A, %broadcast_in_dim3A_123 : vector<512x4096xi1>, vector<512x4096xi32>
    %reduce_min3A_125 = arith.constant dense<2147483647> : vector<512xi32>
    %reduce_min3A_126 = vector.multi_reduction <minsi>, %select_n3A_124, %reduce_min3A_125 [1] : vector<512x4096xi32> to vector<512xi32>
    %broadcast_in_dim3A_127 = vector.shape_cast %reduce_min3A_126 : vector<512xi32> to vector<512x1xi32>
    %eq3A_128 = arith.constant 4 : i32
    %eq3A_129 = vector.broadcast %eq3A_128 : i32 to vector<512x16xi32>
    %eq3A_130 = arith.cmpi eq, %iota3A_20, %eq3A_129 : vector<512x16xi32>
    %add3A_131 = vector.broadcast %mul3A_22 : i32 to vector<512x1xi32>
    %add3A_132 = arith.addi %broadcast_in_dim3A_127, %add3A_131 : vector<512x1xi32>
    %broadcast_in_dim3A_133 = vector.shape_cast %add3A_132 : vector<512x1xi32> to vector<512x1xi32>
    %broadcast_in_dim3A_134 = vector.broadcast %broadcast_in_dim3A_133 : vector<512x1xi32> to vector<512x16xi32>
    %select_n3A_135 = arith.select %eq3A_130, %broadcast_in_dim3A_134, %select_n3A_111 : vector<512x16xi1>, vector<512x16xi32>
    %eq3A_136 = vector.broadcast %broadcast_in_dim3A_127 : vector<512x1xi32> to vector<512x4096xi32>
    %eq3A_137 = arith.cmpi eq, %iota3A, %eq3A_136 : vector<512x4096xi32>
    %jit3A_138 = arith.constant 0x7F800000 : f32
    %broadcast_in_dim3A_139 = vector.broadcast %jit3A_138 : f32 to vector<512x4096xf32>
    %select_n3A_140 = arith.select %eq3A_137, %broadcast_in_dim3A_139, %select_n3A_116 : vector<512x4096xi1>, vector<512x4096xf32>
    %reduce_min3A_141 = arith.constant dense<0x7F800000> : vector<512xf32>
    %reduce_min3A_142 = vector.multi_reduction <minimumf>, %select_n3A_140, %reduce_min3A_141 [1] : vector<512x4096xf32> to vector<512xf32>
    %broadcast_in_dim3A_143 = vector.shape_cast %reduce_min3A_142 : vector<512xf32> to vector<512x1xf32>
    %eq3A_144 = vector.broadcast %broadcast_in_dim3A_143 : vector<512x1xf32> to vector<512x4096xf32>
    %eq3A_145 = arith.cmpf oeq, %select_n3A_140, %eq3A_144 : vector<512x4096xf32>
    %jit3A_146 = arith.constant 4096 : i32
    %broadcast_in_dim3A_147 = vector.broadcast %jit3A_146 : i32 to vector<512x4096xi32>
    %select_n3A_148 = arith.select %eq3A_145, %iota3A, %broadcast_in_dim3A_147 : vector<512x4096xi1>, vector<512x4096xi32>
    %reduce_min3A_149 = arith.constant dense<2147483647> : vector<512xi32>
    %reduce_min3A_150 = vector.multi_reduction <minsi>, %select_n3A_148, %reduce_min3A_149 [1] : vector<512x4096xi32> to vector<512xi32>
    %broadcast_in_dim3A_151 = vector.shape_cast %reduce_min3A_150 : vector<512xi32> to vector<512x1xi32>
    %eq3A_152 = arith.constant 5 : i32
    %eq3A_153 = vector.broadcast %eq3A_152 : i32 to vector<512x16xi32>
    %eq3A_154 = arith.cmpi eq, %iota3A_20, %eq3A_153 : vector<512x16xi32>
    %add3A_155 = vector.broadcast %mul3A_22 : i32 to vector<512x1xi32>
    %add3A_156 = arith.addi %broadcast_in_dim3A_151, %add3A_155 : vector<512x1xi32>
    %broadcast_in_dim3A_157 = vector.shape_cast %add3A_156 : vector<512x1xi32> to vector<512x1xi32>
    %broadcast_in_dim3A_158 = vector.broadcast %broadcast_in_dim3A_157 : vector<512x1xi32> to vector<512x16xi32>
    %select_n3A_159 = arith.select %eq3A_154, %broadcast_in_dim3A_158, %select_n3A_135 : vector<512x16xi1>, vector<512x16xi32>
    %eq3A_160 = vector.broadcast %broadcast_in_dim3A_151 : vector<512x1xi32> to vector<512x4096xi32>
    %eq3A_161 = arith.cmpi eq, %iota3A, %eq3A_160 : vector<512x4096xi32>
    %jit3A_162 = arith.constant 0x7F800000 : f32
    %broadcast_in_dim3A_163 = vector.broadcast %jit3A_162 : f32 to vector<512x4096xf32>
    %select_n3A_164 = arith.select %eq3A_161, %broadcast_in_dim3A_163, %select_n3A_140 : vector<512x4096xi1>, vector<512x4096xf32>
    %reduce_min3A_165 = arith.constant dense<0x7F800000> : vector<512xf32>
    %reduce_min3A_166 = vector.multi_reduction <minimumf>, %select_n3A_164, %reduce_min3A_165 [1] : vector<512x4096xf32> to vector<512xf32>
    %broadcast_in_dim3A_167 = vector.shape_cast %reduce_min3A_166 : vector<512xf32> to vector<512x1xf32>
    %eq3A_168 = vector.broadcast %broadcast_in_dim3A_167 : vector<512x1xf32> to vector<512x4096xf32>
    %eq3A_169 = arith.cmpf oeq, %select_n3A_164, %eq3A_168 : vector<512x4096xf32>
    %jit3A_170 = arith.constant 4096 : i32
    %broadcast_in_dim3A_171 = vector.broadcast %jit3A_170 : i32 to vector<512x4096xi32>
    %select_n3A_172 = arith.select %eq3A_169, %iota3A, %broadcast_in_dim3A_171 : vector<512x4096xi1>, vector<512x4096xi32>
    %reduce_min3A_173 = arith.constant dense<2147483647> : vector<512xi32>
    %reduce_min3A_174 = vector.multi_reduction <minsi>, %select_n3A_172, %reduce_min3A_173 [1] : vector<512x4096xi32> to vector<512xi32>
    %broadcast_in_dim3A_175 = vector.shape_cast %reduce_min3A_174 : vector<512xi32> to vector<512x1xi32>
    %eq3A_176 = arith.constant 6 : i32
    %eq3A_177 = vector.broadcast %eq3A_176 : i32 to vector<512x16xi32>
    %eq3A_178 = arith.cmpi eq, %iota3A_20, %eq3A_177 : vector<512x16xi32>
    %add3A_179 = vector.broadcast %mul3A_22 : i32 to vector<512x1xi32>
    %add3A_180 = arith.addi %broadcast_in_dim3A_175, %add3A_179 : vector<512x1xi32>
    %broadcast_in_dim3A_181 = vector.shape_cast %add3A_180 : vector<512x1xi32> to vector<512x1xi32>
    %broadcast_in_dim3A_182 = vector.broadcast %broadcast_in_dim3A_181 : vector<512x1xi32> to vector<512x16xi32>
    %select_n3A_183 = arith.select %eq3A_178, %broadcast_in_dim3A_182, %select_n3A_159 : vector<512x16xi1>, vector<512x16xi32>
    %eq3A_184 = vector.broadcast %broadcast_in_dim3A_175 : vector<512x1xi32> to vector<512x4096xi32>
    %eq3A_185 = arith.cmpi eq, %iota3A, %eq3A_184 : vector<512x4096xi32>
    %jit3A_186 = arith.constant 0x7F800000 : f32
    %broadcast_in_dim3A_187 = vector.broadcast %jit3A_186 : f32 to vector<512x4096xf32>
    %select_n3A_188 = arith.select %eq3A_185, %broadcast_in_dim3A_187, %select_n3A_164 : vector<512x4096xi1>, vector<512x4096xf32>
    %reduce_min3A_189 = arith.constant dense<0x7F800000> : vector<512xf32>
    %reduce_min3A_190 = vector.multi_reduction <minimumf>, %select_n3A_188, %reduce_min3A_189 [1] : vector<512x4096xf32> to vector<512xf32>
    %broadcast_in_dim3A_191 = vector.shape_cast %reduce_min3A_190 : vector<512xf32> to vector<512x1xf32>
    %eq3A_192 = vector.broadcast %broadcast_in_dim3A_191 : vector<512x1xf32> to vector<512x4096xf32>
    %eq3A_193 = arith.cmpf oeq, %select_n3A_188, %eq3A_192 : vector<512x4096xf32>
    %jit3A_194 = arith.constant 4096 : i32
    %broadcast_in_dim3A_195 = vector.broadcast %jit3A_194 : i32 to vector<512x4096xi32>
    %select_n3A_196 = arith.select %eq3A_193, %iota3A, %broadcast_in_dim3A_195 : vector<512x4096xi1>, vector<512x4096xi32>
    %reduce_min3A_197 = arith.constant dense<2147483647> : vector<512xi32>
    %reduce_min3A_198 = vector.multi_reduction <minsi>, %select_n3A_196, %reduce_min3A_197 [1] : vector<512x4096xi32> to vector<512xi32>
    %broadcast_in_dim3A_199 = vector.shape_cast %reduce_min3A_198 : vector<512xi32> to vector<512x1xi32>
    %eq3A_200 = arith.constant 7 : i32
    %eq3A_201 = vector.broadcast %eq3A_200 : i32 to vector<512x16xi32>
    %eq3A_202 = arith.cmpi eq, %iota3A_20, %eq3A_201 : vector<512x16xi32>
    %add3A_203 = vector.broadcast %mul3A_22 : i32 to vector<512x1xi32>
    %add3A_204 = arith.addi %broadcast_in_dim3A_199, %add3A_203 : vector<512x1xi32>
    %broadcast_in_dim3A_205 = vector.shape_cast %add3A_204 : vector<512x1xi32> to vector<512x1xi32>
    %broadcast_in_dim3A_206 = vector.broadcast %broadcast_in_dim3A_205 : vector<512x1xi32> to vector<512x16xi32>
    %select_n3A_207 = arith.select %eq3A_202, %broadcast_in_dim3A_206, %select_n3A_183 : vector<512x16xi1>, vector<512x16xi32>
    %eq3A_208 = vector.broadcast %broadcast_in_dim3A_199 : vector<512x1xi32> to vector<512x4096xi32>
    %eq3A_209 = arith.cmpi eq, %iota3A, %eq3A_208 : vector<512x4096xi32>
    %jit3A_210 = arith.constant 0x7F800000 : f32
    %broadcast_in_dim3A_211 = vector.broadcast %jit3A_210 : f32 to vector<512x4096xf32>
    %select_n3A_212 = arith.select %eq3A_209, %broadcast_in_dim3A_211, %select_n3A_188 : vector<512x4096xi1>, vector<512x4096xf32>
    %reduce_min3A_213 = arith.constant dense<0x7F800000> : vector<512xf32>
    %reduce_min3A_214 = vector.multi_reduction <minimumf>, %select_n3A_212, %reduce_min3A_213 [1] : vector<512x4096xf32> to vector<512xf32>
    %broadcast_in_dim3A_215 = vector.shape_cast %reduce_min3A_214 : vector<512xf32> to vector<512x1xf32>
    %eq3A_216 = vector.broadcast %broadcast_in_dim3A_215 : vector<512x1xf32> to vector<512x4096xf32>
    %eq3A_217 = arith.cmpf oeq, %select_n3A_212, %eq3A_216 : vector<512x4096xf32>
    %jit3A_218 = arith.constant 4096 : i32
    %broadcast_in_dim3A_219 = vector.broadcast %jit3A_218 : i32 to vector<512x4096xi32>
    %select_n3A_220 = arith.select %eq3A_217, %iota3A, %broadcast_in_dim3A_219 : vector<512x4096xi1>, vector<512x4096xi32>
    %reduce_min3A_221 = arith.constant dense<2147483647> : vector<512xi32>
    %reduce_min3A_222 = vector.multi_reduction <minsi>, %select_n3A_220, %reduce_min3A_221 [1] : vector<512x4096xi32> to vector<512xi32>
    %broadcast_in_dim3A_223 = vector.shape_cast %reduce_min3A_222 : vector<512xi32> to vector<512x1xi32>
    %eq3A_224 = arith.constant 8 : i32
    %eq3A_225 = vector.broadcast %eq3A_224 : i32 to vector<512x16xi32>
    %eq3A_226 = arith.cmpi eq, %iota3A_20, %eq3A_225 : vector<512x16xi32>
    %add3A_227 = vector.broadcast %mul3A_22 : i32 to vector<512x1xi32>
    %add3A_228 = arith.addi %broadcast_in_dim3A_223, %add3A_227 : vector<512x1xi32>
    %broadcast_in_dim3A_229 = vector.shape_cast %add3A_228 : vector<512x1xi32> to vector<512x1xi32>
    %broadcast_in_dim3A_230 = vector.broadcast %broadcast_in_dim3A_229 : vector<512x1xi32> to vector<512x16xi32>
    %select_n3A_231 = arith.select %eq3A_226, %broadcast_in_dim3A_230, %select_n3A_207 : vector<512x16xi1>, vector<512x16xi32>
    %eq3A_232 = vector.broadcast %broadcast_in_dim3A_223 : vector<512x1xi32> to vector<512x4096xi32>
    %eq3A_233 = arith.cmpi eq, %iota3A, %eq3A_232 : vector<512x4096xi32>
    %jit3A_234 = arith.constant 0x7F800000 : f32
    %broadcast_in_dim3A_235 = vector.broadcast %jit3A_234 : f32 to vector<512x4096xf32>
    %select_n3A_236 = arith.select %eq3A_233, %broadcast_in_dim3A_235, %select_n3A_212 : vector<512x4096xi1>, vector<512x4096xf32>
    %reduce_min3A_237 = arith.constant dense<0x7F800000> : vector<512xf32>
    %reduce_min3A_238 = vector.multi_reduction <minimumf>, %select_n3A_236, %reduce_min3A_237 [1] : vector<512x4096xf32> to vector<512xf32>
    %broadcast_in_dim3A_239 = vector.shape_cast %reduce_min3A_238 : vector<512xf32> to vector<512x1xf32>
    %eq3A_240 = vector.broadcast %broadcast_in_dim3A_239 : vector<512x1xf32> to vector<512x4096xf32>
    %eq3A_241 = arith.cmpf oeq, %select_n3A_236, %eq3A_240 : vector<512x4096xf32>
    %jit3A_242 = arith.constant 4096 : i32
    %broadcast_in_dim3A_243 = vector.broadcast %jit3A_242 : i32 to vector<512x4096xi32>
    %select_n3A_244 = arith.select %eq3A_241, %iota3A, %broadcast_in_dim3A_243 : vector<512x4096xi1>, vector<512x4096xi32>
    %reduce_min3A_245 = arith.constant dense<2147483647> : vector<512xi32>
    %reduce_min3A_246 = vector.multi_reduction <minsi>, %select_n3A_244, %reduce_min3A_245 [1] : vector<512x4096xi32> to vector<512xi32>
    %broadcast_in_dim3A_247 = vector.shape_cast %reduce_min3A_246 : vector<512xi32> to vector<512x1xi32>
    %eq3A_248 = arith.constant 9 : i32
    %eq3A_249 = vector.broadcast %eq3A_248 : i32 to vector<512x16xi32>
    %eq3A_250 = arith.cmpi eq, %iota3A_20, %eq3A_249 : vector<512x16xi32>
    %add3A_251 = vector.broadcast %mul3A_22 : i32 to vector<512x1xi32>
    %add3A_252 = arith.addi %broadcast_in_dim3A_247, %add3A_251 : vector<512x1xi32>
    %broadcast_in_dim3A_253 = vector.shape_cast %add3A_252 : vector<512x1xi32> to vector<512x1xi32>
    %broadcast_in_dim3A_254 = vector.broadcast %broadcast_in_dim3A_253 : vector<512x1xi32> to vector<512x16xi32>
    %select_n3A_255 = arith.select %eq3A_250, %broadcast_in_dim3A_254, %select_n3A_231 : vector<512x16xi1>, vector<512x16xi32>
    %eq3A_256 = vector.broadcast %broadcast_in_dim3A_247 : vector<512x1xi32> to vector<512x4096xi32>
    %eq3A_257 = arith.cmpi eq, %iota3A, %eq3A_256 : vector<512x4096xi32>
    %jit3A_258 = arith.constant 0x7F800000 : f32
    %broadcast_in_dim3A_259 = vector.broadcast %jit3A_258 : f32 to vector<512x4096xf32>
    %select_n3A_260 = arith.select %eq3A_257, %broadcast_in_dim3A_259, %select_n3A_236 : vector<512x4096xi1>, vector<512x4096xf32>
    %reduce_min3A_261 = arith.constant dense<0x7F800000> : vector<512xf32>
    %reduce_min3A_262 = vector.multi_reduction <minimumf>, %select_n3A_260, %reduce_min3A_261 [1] : vector<512x4096xf32> to vector<512xf32>
    %broadcast_in_dim3A_263 = vector.shape_cast %reduce_min3A_262 : vector<512xf32> to vector<512x1xf32>
    %eq3A_264 = vector.broadcast %broadcast_in_dim3A_263 : vector<512x1xf32> to vector<512x4096xf32>
    %eq3A_265 = arith.cmpf oeq, %select_n3A_260, %eq3A_264 : vector<512x4096xf32>
    %jit3A_266 = arith.constant 4096 : i32
    %broadcast_in_dim3A_267 = vector.broadcast %jit3A_266 : i32 to vector<512x4096xi32>
    %select_n3A_268 = arith.select %eq3A_265, %iota3A, %broadcast_in_dim3A_267 : vector<512x4096xi1>, vector<512x4096xi32>
    %reduce_min3A_269 = arith.constant dense<2147483647> : vector<512xi32>
    %reduce_min3A_270 = vector.multi_reduction <minsi>, %select_n3A_268, %reduce_min3A_269 [1] : vector<512x4096xi32> to vector<512xi32>
    %broadcast_in_dim3A_271 = vector.shape_cast %reduce_min3A_270 : vector<512xi32> to vector<512x1xi32>
    %eq3A_272 = arith.constant 10 : i32
    %eq3A_273 = vector.broadcast %eq3A_272 : i32 to vector<512x16xi32>
    %eq3A_274 = arith.cmpi eq, %iota3A_20, %eq3A_273 : vector<512x16xi32>
    %add3A_275 = vector.broadcast %mul3A_22 : i32 to vector<512x1xi32>
    %add3A_276 = arith.addi %broadcast_in_dim3A_271, %add3A_275 : vector<512x1xi32>
    %broadcast_in_dim3A_277 = vector.shape_cast %add3A_276 : vector<512x1xi32> to vector<512x1xi32>
    %broadcast_in_dim3A_278 = vector.broadcast %broadcast_in_dim3A_277 : vector<512x1xi32> to vector<512x16xi32>
    %select_n3A_279 = arith.select %eq3A_274, %broadcast_in_dim3A_278, %select_n3A_255 : vector<512x16xi1>, vector<512x16xi32>
    %eq3A_280 = vector.broadcast %broadcast_in_dim3A_271 : vector<512x1xi32> to vector<512x4096xi32>
    %eq3A_281 = arith.cmpi eq, %iota3A, %eq3A_280 : vector<512x4096xi32>
    %jit3A_282 = arith.constant 0x7F800000 : f32
    %broadcast_in_dim3A_283 = vector.broadcast %jit3A_282 : f32 to vector<512x4096xf32>
    %select_n3A_284 = arith.select %eq3A_281, %broadcast_in_dim3A_283, %select_n3A_260 : vector<512x4096xi1>, vector<512x4096xf32>
    %reduce_min3A_285 = arith.constant dense<0x7F800000> : vector<512xf32>
    %reduce_min3A_286 = vector.multi_reduction <minimumf>, %select_n3A_284, %reduce_min3A_285 [1] : vector<512x4096xf32> to vector<512xf32>
    %broadcast_in_dim3A_287 = vector.shape_cast %reduce_min3A_286 : vector<512xf32> to vector<512x1xf32>
    %eq3A_288 = vector.broadcast %broadcast_in_dim3A_287 : vector<512x1xf32> to vector<512x4096xf32>
    %eq3A_289 = arith.cmpf oeq, %select_n3A_284, %eq3A_288 : vector<512x4096xf32>
    %jit3A_290 = arith.constant 4096 : i32
    %broadcast_in_dim3A_291 = vector.broadcast %jit3A_290 : i32 to vector<512x4096xi32>
    %select_n3A_292 = arith.select %eq3A_289, %iota3A, %broadcast_in_dim3A_291 : vector<512x4096xi1>, vector<512x4096xi32>
    %reduce_min3A_293 = arith.constant dense<2147483647> : vector<512xi32>
    %reduce_min3A_294 = vector.multi_reduction <minsi>, %select_n3A_292, %reduce_min3A_293 [1] : vector<512x4096xi32> to vector<512xi32>
    %broadcast_in_dim3A_295 = vector.shape_cast %reduce_min3A_294 : vector<512xi32> to vector<512x1xi32>
    %eq3A_296 = arith.constant 11 : i32
    %eq3A_297 = vector.broadcast %eq3A_296 : i32 to vector<512x16xi32>
    %eq3A_298 = arith.cmpi eq, %iota3A_20, %eq3A_297 : vector<512x16xi32>
    %add3A_299 = vector.broadcast %mul3A_22 : i32 to vector<512x1xi32>
    %add3A_300 = arith.addi %broadcast_in_dim3A_295, %add3A_299 : vector<512x1xi32>
    %broadcast_in_dim3A_301 = vector.shape_cast %add3A_300 : vector<512x1xi32> to vector<512x1xi32>
    %broadcast_in_dim3A_302 = vector.broadcast %broadcast_in_dim3A_301 : vector<512x1xi32> to vector<512x16xi32>
    %select_n3A_303 = arith.select %eq3A_298, %broadcast_in_dim3A_302, %select_n3A_279 : vector<512x16xi1>, vector<512x16xi32>
    %eq3A_304 = vector.broadcast %broadcast_in_dim3A_295 : vector<512x1xi32> to vector<512x4096xi32>
    %eq3A_305 = arith.cmpi eq, %iota3A, %eq3A_304 : vector<512x4096xi32>
    %jit3A_306 = arith.constant 0x7F800000 : f32
    %broadcast_in_dim3A_307 = vector.broadcast %jit3A_306 : f32 to vector<512x4096xf32>
    %select_n3A_308 = arith.select %eq3A_305, %broadcast_in_dim3A_307, %select_n3A_284 : vector<512x4096xi1>, vector<512x4096xf32>
    %reduce_min3A_309 = arith.constant dense<0x7F800000> : vector<512xf32>
    %reduce_min3A_310 = vector.multi_reduction <minimumf>, %select_n3A_308, %reduce_min3A_309 [1] : vector<512x4096xf32> to vector<512xf32>
    %broadcast_in_dim3A_311 = vector.shape_cast %reduce_min3A_310 : vector<512xf32> to vector<512x1xf32>
    %eq3A_312 = vector.broadcast %broadcast_in_dim3A_311 : vector<512x1xf32> to vector<512x4096xf32>
    %eq3A_313 = arith.cmpf oeq, %select_n3A_308, %eq3A_312 : vector<512x4096xf32>
    %jit3A_314 = arith.constant 4096 : i32
    %broadcast_in_dim3A_315 = vector.broadcast %jit3A_314 : i32 to vector<512x4096xi32>
    %select_n3A_316 = arith.select %eq3A_313, %iota3A, %broadcast_in_dim3A_315 : vector<512x4096xi1>, vector<512x4096xi32>
    %reduce_min3A_317 = arith.constant dense<2147483647> : vector<512xi32>
    %reduce_min3A_318 = vector.multi_reduction <minsi>, %select_n3A_316, %reduce_min3A_317 [1] : vector<512x4096xi32> to vector<512xi32>
    %broadcast_in_dim3A_319 = vector.shape_cast %reduce_min3A_318 : vector<512xi32> to vector<512x1xi32>
    %eq3A_320 = arith.constant 12 : i32
    %eq3A_321 = vector.broadcast %eq3A_320 : i32 to vector<512x16xi32>
    %eq3A_322 = arith.cmpi eq, %iota3A_20, %eq3A_321 : vector<512x16xi32>
    %add3A_323 = vector.broadcast %mul3A_22 : i32 to vector<512x1xi32>
    %add3A_324 = arith.addi %broadcast_in_dim3A_319, %add3A_323 : vector<512x1xi32>
    %broadcast_in_dim3A_325 = vector.shape_cast %add3A_324 : vector<512x1xi32> to vector<512x1xi32>
    %broadcast_in_dim3A_326 = vector.broadcast %broadcast_in_dim3A_325 : vector<512x1xi32> to vector<512x16xi32>
    %select_n3A_327 = arith.select %eq3A_322, %broadcast_in_dim3A_326, %select_n3A_303 : vector<512x16xi1>, vector<512x16xi32>
    %eq3A_328 = vector.broadcast %broadcast_in_dim3A_319 : vector<512x1xi32> to vector<512x4096xi32>
    %eq3A_329 = arith.cmpi eq, %iota3A, %eq3A_328 : vector<512x4096xi32>
    %jit3A_330 = arith.constant 0x7F800000 : f32
    %broadcast_in_dim3A_331 = vector.broadcast %jit3A_330 : f32 to vector<512x4096xf32>
    %select_n3A_332 = arith.select %eq3A_329, %broadcast_in_dim3A_331, %select_n3A_308 : vector<512x4096xi1>, vector<512x4096xf32>
    %reduce_min3A_333 = arith.constant dense<0x7F800000> : vector<512xf32>
    %reduce_min3A_334 = vector.multi_reduction <minimumf>, %select_n3A_332, %reduce_min3A_333 [1] : vector<512x4096xf32> to vector<512xf32>
    %broadcast_in_dim3A_335 = vector.shape_cast %reduce_min3A_334 : vector<512xf32> to vector<512x1xf32>
    %eq3A_336 = vector.broadcast %broadcast_in_dim3A_335 : vector<512x1xf32> to vector<512x4096xf32>
    %eq3A_337 = arith.cmpf oeq, %select_n3A_332, %eq3A_336 : vector<512x4096xf32>
    %jit3A_338 = arith.constant 4096 : i32
    %broadcast_in_dim3A_339 = vector.broadcast %jit3A_338 : i32 to vector<512x4096xi32>
    %select_n3A_340 = arith.select %eq3A_337, %iota3A, %broadcast_in_dim3A_339 : vector<512x4096xi1>, vector<512x4096xi32>
    %reduce_min3A_341 = arith.constant dense<2147483647> : vector<512xi32>
    %reduce_min3A_342 = vector.multi_reduction <minsi>, %select_n3A_340, %reduce_min3A_341 [1] : vector<512x4096xi32> to vector<512xi32>
    %broadcast_in_dim3A_343 = vector.shape_cast %reduce_min3A_342 : vector<512xi32> to vector<512x1xi32>
    %eq3A_344 = arith.constant 13 : i32
    %eq3A_345 = vector.broadcast %eq3A_344 : i32 to vector<512x16xi32>
    %eq3A_346 = arith.cmpi eq, %iota3A_20, %eq3A_345 : vector<512x16xi32>
    %add3A_347 = vector.broadcast %mul3A_22 : i32 to vector<512x1xi32>
    %add3A_348 = arith.addi %broadcast_in_dim3A_343, %add3A_347 : vector<512x1xi32>
    %broadcast_in_dim3A_349 = vector.shape_cast %add3A_348 : vector<512x1xi32> to vector<512x1xi32>
    %broadcast_in_dim3A_350 = vector.broadcast %broadcast_in_dim3A_349 : vector<512x1xi32> to vector<512x16xi32>
    %select_n3A_351 = arith.select %eq3A_346, %broadcast_in_dim3A_350, %select_n3A_327 : vector<512x16xi1>, vector<512x16xi32>
    %eq3A_352 = vector.broadcast %broadcast_in_dim3A_343 : vector<512x1xi32> to vector<512x4096xi32>
    %eq3A_353 = arith.cmpi eq, %iota3A, %eq3A_352 : vector<512x4096xi32>
    %jit3A_354 = arith.constant 0x7F800000 : f32
    %broadcast_in_dim3A_355 = vector.broadcast %jit3A_354 : f32 to vector<512x4096xf32>
    %select_n3A_356 = arith.select %eq3A_353, %broadcast_in_dim3A_355, %select_n3A_332 : vector<512x4096xi1>, vector<512x4096xf32>
    %reduce_min3A_357 = arith.constant dense<0x7F800000> : vector<512xf32>
    %reduce_min3A_358 = vector.multi_reduction <minimumf>, %select_n3A_356, %reduce_min3A_357 [1] : vector<512x4096xf32> to vector<512xf32>
    %broadcast_in_dim3A_359 = vector.shape_cast %reduce_min3A_358 : vector<512xf32> to vector<512x1xf32>
    %eq3A_360 = vector.broadcast %broadcast_in_dim3A_359 : vector<512x1xf32> to vector<512x4096xf32>
    %eq3A_361 = arith.cmpf oeq, %select_n3A_356, %eq3A_360 : vector<512x4096xf32>
    %jit3A_362 = arith.constant 4096 : i32
    %broadcast_in_dim3A_363 = vector.broadcast %jit3A_362 : i32 to vector<512x4096xi32>
    %select_n3A_364 = arith.select %eq3A_361, %iota3A, %broadcast_in_dim3A_363 : vector<512x4096xi1>, vector<512x4096xi32>
    %reduce_min3A_365 = arith.constant dense<2147483647> : vector<512xi32>
    %reduce_min3A_366 = vector.multi_reduction <minsi>, %select_n3A_364, %reduce_min3A_365 [1] : vector<512x4096xi32> to vector<512xi32>
    %broadcast_in_dim3A_367 = vector.shape_cast %reduce_min3A_366 : vector<512xi32> to vector<512x1xi32>
    %eq3A_368 = arith.constant 14 : i32
    %eq3A_369 = vector.broadcast %eq3A_368 : i32 to vector<512x16xi32>
    %eq3A_370 = arith.cmpi eq, %iota3A_20, %eq3A_369 : vector<512x16xi32>
    %add3A_371 = vector.broadcast %mul3A_22 : i32 to vector<512x1xi32>
    %add3A_372 = arith.addi %broadcast_in_dim3A_367, %add3A_371 : vector<512x1xi32>
    %broadcast_in_dim3A_373 = vector.shape_cast %add3A_372 : vector<512x1xi32> to vector<512x1xi32>
    %broadcast_in_dim3A_374 = vector.broadcast %broadcast_in_dim3A_373 : vector<512x1xi32> to vector<512x16xi32>
    %select_n3A_375 = arith.select %eq3A_370, %broadcast_in_dim3A_374, %select_n3A_351 : vector<512x16xi1>, vector<512x16xi32>
    %eq3A_376 = vector.broadcast %broadcast_in_dim3A_367 : vector<512x1xi32> to vector<512x4096xi32>
    %eq3A_377 = arith.cmpi eq, %iota3A, %eq3A_376 : vector<512x4096xi32>
    %jit3A_378 = arith.constant 0x7F800000 : f32
    %broadcast_in_dim3A_379 = vector.broadcast %jit3A_378 : f32 to vector<512x4096xf32>
    %select_n3A_380 = arith.select %eq3A_377, %broadcast_in_dim3A_379, %select_n3A_356 : vector<512x4096xi1>, vector<512x4096xf32>
    %reduce_min3A_381 = arith.constant dense<0x7F800000> : vector<512xf32>
    %reduce_min3A_382 = vector.multi_reduction <minimumf>, %select_n3A_380, %reduce_min3A_381 [1] : vector<512x4096xf32> to vector<512xf32>
    %broadcast_in_dim3A_383 = vector.shape_cast %reduce_min3A_382 : vector<512xf32> to vector<512x1xf32>
    %eq3A_384 = vector.broadcast %broadcast_in_dim3A_383 : vector<512x1xf32> to vector<512x4096xf32>
    %eq3A_385 = arith.cmpf oeq, %select_n3A_380, %eq3A_384 : vector<512x4096xf32>
    %jit3A_386 = arith.constant 4096 : i32
    %broadcast_in_dim3A_387 = vector.broadcast %jit3A_386 : i32 to vector<512x4096xi32>
    %select_n3A_388 = arith.select %eq3A_385, %iota3A, %broadcast_in_dim3A_387 : vector<512x4096xi1>, vector<512x4096xi32>
    %reduce_min3A_389 = arith.constant dense<2147483647> : vector<512xi32>
    %reduce_min3A_390 = vector.multi_reduction <minsi>, %select_n3A_388, %reduce_min3A_389 [1] : vector<512x4096xi32> to vector<512xi32>
    %broadcast_in_dim3A_391 = vector.shape_cast %reduce_min3A_390 : vector<512xi32> to vector<512x1xi32>
    %eq3A_392 = arith.constant 15 : i32
    %eq3A_393 = vector.broadcast %eq3A_392 : i32 to vector<512x16xi32>
    %eq3A_394 = arith.cmpi eq, %iota3A_20, %eq3A_393 : vector<512x16xi32>
    %add3A_395 = vector.broadcast %mul3A_22 : i32 to vector<512x1xi32>
    %add3A_396 = arith.addi %broadcast_in_dim3A_391, %add3A_395 : vector<512x1xi32>
    %broadcast_in_dim3A_397 = vector.shape_cast %add3A_396 : vector<512x1xi32> to vector<512x1xi32>
    %broadcast_in_dim3A_398 = vector.broadcast %broadcast_in_dim3A_397 : vector<512x1xi32> to vector<512x16xi32>
    %select_n3A_399 = arith.select %eq3A_394, %broadcast_in_dim3A_398, %select_n3A_375 : vector<512x16xi1>, vector<512x16xi32>
    %swap3A = arith.constant 0 : index
    %swap3A_400 = arith.constant 0 : index
    %swap3A_401 = arith.constant 0 : index
    %swap3A_402 = vector.load %arg4[%swap3A, %swap3A_400, %swap3A_401] : memref<1x512x16xi32, #tpu.memory_space<vmem>>, vector<1x512x16xi32>
    %swap3A_403 = vector.shape_cast %swap3A_402 : vector<1x512x16xi32> to vector<512x16xi32>
    %swap3A_404 = vector.shape_cast %select_n3A_399 : vector<512x16xi32> to vector<1x512x16xi32>
    tpu.vector_store %arg4[%swap3A, %swap3A_400, %swap3A_401], %swap3A_404 {strides = array<i32>} : memref<1x512x16xi32, #tpu.memory_space<vmem>>, vector<1x512x16xi32>,
    return
  }
  func.func @transform_0(%arg0: i32, %arg1: i32) -> (i32, i32, i32) {
    %c0_i32 = arith.constant 0 : i32
    %c0_i32_0 = arith.constant 0 : i32
    return %arg0, %arg1, %c0_i32 : i32, i32, i32
  }
  func.func @transform_1(%arg0: i32, %arg1: i32) -> (i32, i32, i32) {
    %c0_i32 = arith.constant 0 : i32
    %c0_i32_0 = arith.constant 0 : i32
    %c0_i32_1 = arith.constant 0 : i32
    return %arg0, %c0_i32, %c0_i32_0 : i32, i32, i32
  }
  func.func @transform_2(%arg0: i32, %arg1: i32) -> (i32, i32, i32) {
    %c0_i32 = arith.constant 0 : i32
    %c0_i32_0 = arith.constant 0 : i32
    return %arg0, %arg1, %c0_i32 : i32, i32, i32
  }
}

module attributes {stable_mosaic.version = 14 : i64} {
  func.func @_k2_body(%arg0: i32, %arg1: i32, %arg2: memref<1x256x64xf32, #tpu.memory_space<vmem>>, %arg3: memref<1x256x3xf32, #tpu.memory_space<vmem>>, %arg4: memref<256x16x128xf32, #tpu.memory_space<vmem>>, %arg5: memref<256x16x128xf32, #tpu.memory_space<vmem>>, %arg6: memref<64x131xf32, #tpu.memory_space<vmem>>, %arg7: memref<1x64xf32, #tpu.memory_space<vmem>>, %arg8: memref<64x64xf32, #tpu.memory_space<vmem>>, %arg9: memref<1x64xf32, #tpu.memory_space<vmem>>, %arg10: memref<4096x64xf32, #tpu.memory_space<vmem>>, %arg11: memref<4096x64xf32, #tpu.memory_space<vmem>>, %arg12: memref<64x16x16xf32, #tpu.memory_space<vmem>>) attributes {dimension_semantics = [#tpu.dimension_semantics<arbitrary>, #tpu.dimension_semantics<arbitrary>], iteration_bounds = array<i64: 2, 16>, scalar_prefetch = 0 : i64, scratch_operands = 0 : i64, tpu.core_type = #tpu.core_type<tc>, window_params = [{transform_indices = @transform_0, window_bounds = array<i64: 1, 256, 64>}, {transform_indices = @transform_1, window_bounds = array<i64: 1, 256, 3>}, {transform_indices = @transform_2, window_bounds = array<i64: 256, 16, 128>}, {transform_indices = @transform_3, window_bounds = array<i64: 256, 16, 128>}, {pipeline_mode = #tpu.pipeline_mode<synchronous>, transform_indices = @transform_4, window_bounds = array<i64: 64, 131>}, {pipeline_mode = #tpu.pipeline_mode<synchronous>, transform_indices = @transform_5, window_bounds = array<i64: 1, 64>}, {pipeline_mode = #tpu.pipeline_mode<synchronous>, transform_indices = @transform_6, window_bounds = array<i64: 64, 64>}, {pipeline_mode = #tpu.pipeline_mode<synchronous>, transform_indices = @transform_7, window_bounds = array<i64: 1, 64>}, {transform_indices = @transform_8, window_bounds = array<i64: 4096, 64>}, {transform_indices = @transform_9, window_bounds = array<i64: 4096, 64>}, {transform_indices = @transform_10, window_bounds = array<i64: 64, 16, 16>}]} {
    %get3A = arith.constant 0 : index
    %get3A_0 = arith.constant 0 : index
    %get3A_1 = arith.constant 0 : index
    %get3A_2 = vector.load %arg2[%get3A, %get3A_0, %get3A_1] : memref<1x256x64xf32, #tpu.memory_space<vmem>>, vector<1x256x64xf32>
    %get3A_3 = vector.shape_cast %get3A_2 : vector<1x256x64xf32> to vector<256x64xf32>
    %get3A_4 = arith.constant 0 : index
    %get3A_5 = arith.constant 0 : index
    %get3A_6 = arith.constant 0 : index
    %get3A_7 = vector.load %arg3[%get3A_4, %get3A_5, %get3A_6] : memref<1x256x3xf32, #tpu.memory_space<vmem>>, vector<1x256x3xf32>
    %get3A_8 = vector.shape_cast %get3A_7 : vector<1x256x3xf32> to vector<256x3xf32>
    %get3A_9 = arith.constant 0 : index
    %get3A_10 = arith.constant 0 : index
    %get3A_11 = vector.load %arg6[%get3A_9, %get3A_10] : memref<64x131xf32, #tpu.memory_space<vmem>>, vector<64x131xf32>
    %get3A_12 = arith.constant 0 : index
    %get3A_13 = arith.constant 0 : index
    %get3A_14 = vector.load %arg7[%get3A_12, %get3A_13] : memref<1x64xf32, #tpu.memory_space<vmem>>, vector<1x64xf32>
    %get3A_15 = vector.shape_cast %get3A_14 : vector<1x64xf32> to vector<64xf32>
    %get3A_16 = arith.constant 0 : index
    %get3A_17 = arith.constant 0 : index
    %get3A_18 = vector.load %arg8[%get3A_16, %get3A_17] : memref<64x64xf32, #tpu.memory_space<vmem>>, vector<64x64xf32>
    %get3A_19 = arith.constant 0 : index
    %get3A_20 = arith.constant 0 : index
    %get3A_21 = vector.load %arg9[%get3A_19, %get3A_20] : memref<1x64xf32, #tpu.memory_space<vmem>>, vector<1x64xf32>
    %get3A_22 = vector.shape_cast %get3A_21 : vector<1x64xf32> to vector<64xf32>
    %slice3A = vector.extract_strided_slice %get3A_11 {offsets = [0, 0], sizes = [64, 64], strides = [1, 1]} : vector<64x131xf32> to vector<64x64xf32>
    %slice3A_23 = vector.extract_strided_slice %get3A_11 {offsets = [0, 64], sizes = [64, 64], strides = [1, 1]} : vector<64x131xf32> to vector<64x64xf32>
    %slice3A_24 = vector.extract_strided_slice %get3A_11 {offsets = [0, 128], sizes = [64, 3], strides = [1, 1]} : vector<64x131xf32> to vector<64x3xf32>
    %dot_general3A = arith.constant dense<0.000000e+00> : vector<256x64xf32>
    %dot_general3A_25 = tpu.matmul %get3A_3, %slice3A, %dot_general3A {dimension_numbers = #tpu.dot_dimension_numbers<[1], [1], [0], [0], [0, 0, 1, 0], [], []>, precision = #tpu.contract_precision<fp32>, transpose_lhs_hint = false} : vector<256x64xf32>, vector<64x64xf32>, vector<256x64xf32> -> vector<256x64xf32>
    %get3A_26 = arith.constant 0 : index
    %get3A_27 = arith.constant 0 : index
    %get3A_28 = arith.constant 0 : index
    %get3A_29 = vector.load %arg4[%get3A_26, %get3A_27, %get3A_28] : memref<256x16x128xf32, #tpu.memory_space<vmem>>, vector<256x16x128xf32>
    %slice3A_30 = vector.extract_strided_slice %get3A_29 {offsets = [0, 0, 0], sizes = [256, 16, 64], strides = [1, 1, 1]} : vector<256x16x128xf32> to vector<256x16x64xf32>
    %reshape3A = vector.shape_cast %slice3A_30 : vector<256x16x64xf32> to vector<4096x64xf32>
    %slice3A_31 = vector.extract_strided_slice %get3A_29 {offsets = [0, 0, 64], sizes = [256, 16, 3], strides = [1, 1, 1]} : vector<256x16x128xf32> to vector<256x16x3xf32>
    %broadcast_in_dim3A = vector.shape_cast %get3A_8 : vector<256x3xf32> to vector<256x1x3xf32>
    %sub3A = vector.broadcast %broadcast_in_dim3A : vector<256x1x3xf32> to vector<256x16x3xf32>
    %sub3A_32 = arith.subf %slice3A_31, %sub3A : vector<256x16x3xf32>
    %reshape3A_33 = vector.shape_cast %sub3A_32 : vector<256x16x3xf32> to vector<4096x3xf32>
    %dot_general3A_34 = arith.constant dense<0.000000e+00> : vector<4096x64xf32>
    %dot_general3A_35 = tpu.matmul %reshape3A, %slice3A_23, %dot_general3A_34 {dimension_numbers = #tpu.dot_dimension_numbers<[1], [1], [0], [0], [0, 0, 1, 0], [], []>, precision = #tpu.contract_precision<fp32>, transpose_lhs_hint = false} : vector<4096x64xf32>, vector<64x64xf32>, vector<4096x64xf32> -> vector<4096x64xf32>
    %dot_general3A_36 = arith.constant dense<0.000000e+00> : vector<4096x64xf32>
    %dot_general3A_37 = tpu.matmul %reshape3A_33, %slice3A_24, %dot_general3A_36 {dimension_numbers = #tpu.dot_dimension_numbers<[1], [1], [0], [0], [0, 0, 1, 0], [], []>, precision = #tpu.contract_precision<fp32>, transpose_lhs_hint = false} : vector<4096x3xf32>, vector<64x3xf32>, vector<4096x64xf32> -> vector<4096x64xf32>
    %add3A = arith.addf %dot_general3A_35, %dot_general3A_37 : vector<4096x64xf32>
    %broadcast_in_dim3A_38 = vector.shape_cast %dot_general3A_25 : vector<256x64xf32> to vector<256x1x64xf32>
    %broadcast_in_dim3A_39 = vector.shape_cast %broadcast_in_dim3A_38 : vector<256x1x64xf32> to vector<256x1x64xf32>
    %broadcast_in_dim3A_40 = vector.broadcast %broadcast_in_dim3A_39 : vector<256x1x64xf32> to vector<256x16x64xf32>
    %reshape3A_41 = vector.shape_cast %broadcast_in_dim3A_40 : vector<256x16x64xf32> to vector<4096x64xf32>
    %add3A_42 = arith.addf %add3A, %reshape3A_41 : vector<4096x64xf32>
    %broadcast_in_dim3A_43 = vector.shape_cast %get3A_15 : vector<64xf32> to vector<1x64xf32>
    %add3A_44 = vector.broadcast %broadcast_in_dim3A_43 : vector<1x64xf32> to vector<4096x64xf32>
    %add3A_45 = arith.addf %add3A_42, %add3A_44 : vector<4096x64xf32>
    %ge3A = arith.constant 0.000000e+00 : f32
    %ge3A_46 = vector.broadcast %ge3A : f32 to vector<4096x64xf32>
    %ge3A_47 = arith.cmpf oge, %add3A_45, %ge3A_46 : vector<4096x64xf32>
    %mul3A = arith.constant 1.000000e-01 : f32
    %mul3A_48 = vector.broadcast %mul3A : f32 to vector<4096x64xf32>
    %mul3A_49 = arith.mulf %mul3A_48, %add3A_45 : vector<4096x64xf32>
    %select_n3A = arith.select %ge3A_47, %add3A_45, %mul3A_49 : vector<4096x64xi1>, vector<4096x64xf32>
    %dot_general3A_50 = arith.constant dense<0.000000e+00> : vector<4096x64xf32>
    %dot_general3A_51 = tpu.matmul %select_n3A, %get3A_18, %dot_general3A_50 {dimension_numbers = #tpu.dot_dimension_numbers<[1], [1], [0], [0], [0, 0, 1, 0], [], []>, precision = #tpu.contract_precision<fp32>, transpose_lhs_hint = false} : vector<4096x64xf32>, vector<64x64xf32>, vector<4096x64xf32> -> vector<4096x64xf32>
    %broadcast_in_dim3A_52 = vector.shape_cast %get3A_22 : vector<64xf32> to vector<1x64xf32>
    %add3A_53 = vector.broadcast %broadcast_in_dim3A_52 : vector<1x64xf32> to vector<4096x64xf32>
    %add3A_54 = arith.addf %dot_general3A_51, %add3A_53 : vector<4096x64xf32>
    %ge3A_55 = arith.constant 0.000000e+00 : f32
    %ge3A_56 = vector.broadcast %ge3A_55 : f32 to vector<4096x64xf32>
    %ge3A_57 = arith.cmpf oge, %add3A_54, %ge3A_56 : vector<4096x64xf32>
    %mul3A_58 = arith.constant 1.000000e-01 : f32
    %mul3A_59 = vector.broadcast %mul3A_58 : f32 to vector<4096x64xf32>
    %mul3A_60 = arith.mulf %mul3A_59, %add3A_54 : vector<4096x64xf32>
    %select_n3A_61 = arith.select %ge3A_57, %add3A_54, %mul3A_60 : vector<4096x64xi1>, vector<4096x64xf32>
    %get3A_62 = arith.constant 0 : index
    %get3A_63 = arith.constant 0 : index
    %get3A_64 = arith.constant 0 : index
    %get3A_65 = vector.load %arg5[%get3A_62, %get3A_63, %get3A_64] : memref<256x16x128xf32, #tpu.memory_space<vmem>>, vector<256x16x128xf32>
    %slice3A_66 = vector.extract_strided_slice %get3A_65 {offsets = [0, 0, 0], sizes = [256, 16, 64], strides = [1, 1, 1]} : vector<256x16x128xf32> to vector<256x16x64xf32>
    %reshape3A_67 = vector.shape_cast %slice3A_66 : vector<256x16x64xf32> to vector<4096x64xf32>
    %slice3A_68 = vector.extract_strided_slice %get3A_65 {offsets = [0, 0, 64], sizes = [256, 16, 3], strides = [1, 1, 1]} : vector<256x16x128xf32> to vector<256x16x3xf32>
    %broadcast_in_dim3A_69 = vector.shape_cast %get3A_8 : vector<256x3xf32> to vector<256x1x3xf32>
    %sub3A_70 = vector.broadcast %broadcast_in_dim3A_69 : vector<256x1x3xf32> to vector<256x16x3xf32>
    %sub3A_71 = arith.subf %slice3A_68, %sub3A_70 : vector<256x16x3xf32>
    %reshape3A_72 = vector.shape_cast %sub3A_71 : vector<256x16x3xf32> to vector<4096x3xf32>
    %dot_general3A_73 = arith.constant dense<0.000000e+00> : vector<4096x64xf32>
    %dot_general3A_74 = tpu.matmul %reshape3A_67, %slice3A_23, %dot_general3A_73 {dimension_numbers = #tpu.dot_dimension_numbers<[1], [1], [0], [0], [0, 0, 1, 0], [], []>, precision = #tpu.contract_precision<fp32>, transpose_lhs_hint = false} : vector<4096x64xf32>, vector<64x64xf32>, vector<4096x64xf32> -> vector<4096x64xf32>
    %dot_general3A_75 = arith.constant dense<0.000000e+00> : vector<4096x64xf32>
    %dot_general3A_76 = tpu.matmul %reshape3A_72, %slice3A_24, %dot_general3A_75 {dimension_numbers = #tpu.dot_dimension_numbers<[1], [1], [0], [0], [0, 0, 1, 0], [], []>, precision = #tpu.contract_precision<fp32>, transpose_lhs_hint = false} : vector<4096x3xf32>, vector<64x3xf32>, vector<4096x64xf32> -> vector<4096x64xf32>
    %add3A_77 = arith.addf %dot_general3A_74, %dot_general3A_76 : vector<4096x64xf32>
    %broadcast_in_dim3A_78 = vector.shape_cast %dot_general3A_25 : vector<256x64xf32> to vector<256x1x64xf32>
    %broadcast_in_dim3A_79 = vector.shape_cast %broadcast_in_dim3A_78 : vector<256x1x64xf32> to vector<256x1x64xf32>
    %broadcast_in_dim3A_80 = vector.broadcast %broadcast_in_dim3A_79 : vector<256x1x64xf32> to vector<256x16x64xf32>
    %reshape3A_81 = vector.shape_cast %broadcast_in_dim3A_80 : vector<256x16x64xf32> to vector<4096x64xf32>
    %add3A_82 = arith.addf %add3A_77, %reshape3A_81 : vector<4096x64xf32>
    %broadcast_in_dim3A_83 = vector.shape_cast %get3A_15 : vector<64xf32> to vector<1x64xf32>
    %add3A_84 = vector.broadcast %broadcast_in_dim3A_83 : vector<1x64xf32> to vector<4096x64xf32>
    %add3A_85 = arith.addf %add3A_82, %add3A_84 : vector<4096x64xf32>
    %ge3A_86 = arith.constant 0.000000e+00 : f32
    %ge3A_87 = vector.broadcast %ge3A_86 : f32 to vector<4096x64xf32>
    %ge3A_88 = arith.cmpf oge, %add3A_85, %ge3A_87 : vector<4096x64xf32>
    %mul3A_89 = arith.constant 1.000000e-01 : f32
    %mul3A_90 = vector.broadcast %mul3A_89 : f32 to vector<4096x64xf32>
    %mul3A_91 = arith.mulf %mul3A_90, %add3A_85 : vector<4096x64xf32>
    %select_n3A_92 = arith.select %ge3A_88, %add3A_85, %mul3A_91 : vector<4096x64xi1>, vector<4096x64xf32>
    %dot_general3A_93 = arith.constant dense<0.000000e+00> : vector<4096x64xf32>
    %dot_general3A_94 = tpu.matmul %select_n3A_92, %get3A_18, %dot_general3A_93 {dimension_numbers = #tpu.dot_dimension_numbers<[1], [1], [0], [0], [0, 0, 1, 0], [], []>, precision = #tpu.contract_precision<fp32>, transpose_lhs_hint = false} : vector<4096x64xf32>, vector<64x64xf32>, vector<4096x64xf32> -> vector<4096x64xf32>
    %broadcast_in_dim3A_95 = vector.shape_cast %get3A_22 : vector<64xf32> to vector<1x64xf32>
    %add3A_96 = vector.broadcast %broadcast_in_dim3A_95 : vector<1x64xf32> to vector<4096x64xf32>
    %add3A_97 = arith.addf %dot_general3A_94, %add3A_96 : vector<4096x64xf32>
    %ge3A_98 = arith.constant 0.000000e+00 : f32
    %ge3A_99 = vector.broadcast %ge3A_98 : f32 to vector<4096x64xf32>
    %ge3A_100 = arith.cmpf oge, %add3A_97, %ge3A_99 : vector<4096x64xf32>
    %mul3A_101 = arith.constant 1.000000e-01 : f32
    %mul3A_102 = vector.broadcast %mul3A_101 : f32 to vector<4096x64xf32>
    %mul3A_103 = arith.mulf %mul3A_102, %add3A_97 : vector<4096x64xf32>
    %select_n3A_104 = arith.select %ge3A_100, %add3A_97, %mul3A_103 : vector<4096x64xi1>, vector<4096x64xf32>
    %swap3A = arith.constant 0 : index
    %swap3A_105 = arith.constant 0 : index
    %swap3A_106 = vector.load %arg10[%swap3A, %swap3A_105] : memref<4096x64xf32, #tpu.memory_space<vmem>>, vector<4096x64xf32>
    tpu.vector_store %arg10[%swap3A, %swap3A_105], %select_n3A_61 {strides = array<i32>} : memref<4096x64xf32, #tpu.memory_space<vmem>>, vector<4096x64xf32>,
    %swap3A_107 = arith.constant 0 : index
    %swap3A_108 = arith.constant 0 : index
    %swap3A_109 = vector.load %arg11[%swap3A_107, %swap3A_108] : memref<4096x64xf32, #tpu.memory_space<vmem>>, vector<4096x64xf32>
    tpu.vector_store %arg11[%swap3A_107, %swap3A_108], %select_n3A_104 {strides = array<i32>} : memref<4096x64xf32, #tpu.memory_space<vmem>>, vector<4096x64xf32>,
    %reshape3A_110 = vector.shape_cast %select_n3A_61 : vector<4096x64xf32> to vector<256x16x64xf32>
    %reshape3A_111 = vector.shape_cast %select_n3A_104 : vector<4096x64xf32> to vector<256x16x64xf32>
    %dot_general3A_112 = arith.constant dense<0.000000e+00> : vector<64x16x16xf32>
    %dot_general3A_113 = tpu.matmul %reshape3A_110, %reshape3A_111, %dot_general3A_112 {dimension_numbers = #tpu.dot_dimension_numbers<[0], [0], [1], [1], [0, 2, 0, 1, 1, 1], [2], [2]>, precision = #tpu.contract_precision<fp32>, transpose_lhs_hint = false} : vector<256x16x64xf32>, vector<256x16x64xf32>, vector<64x16x16xf32> -> vector<64x16x16xf32>
    %eq3A = arith.constant 0 : i32
    %eq3A_114 = arith.cmpi eq, %arg1, %eq3A : i32
    %convert_element_type3A = arith.extui %eq3A_114 : i1 to i32
    %cond3A = arith.constant 0 : i32
    %cond3A_115 = arith.cmpi ne, %convert_element_type3A, %cond3A : i32
    scf.if %cond3A_115 {
      %swap3A_120 = arith.constant 0 : index
      %swap3A_121 = arith.constant 0 : index
      %swap3A_122 = arith.constant 0 : index
      %swap3A_123 = vector.load %arg12[%swap3A_120, %swap3A_121, %swap3A_122] : memref<64x16x16xf32, #tpu.memory_space<vmem>>, vector<64x16x16xf32>
      tpu.vector_store %arg12[%swap3A_120, %swap3A_121, %swap3A_122], %dot_general3A_113 {strides = array<i32>} : memref<64x16x16xf32, #tpu.memory_space<vmem>>, vector<64x16x16xf32>,
    } else {
    }
    %ne3A = arith.constant 0 : i32
    %ne3A_116 = arith.cmpi ne, %arg1, %ne3A : i32
    %convert_element_type3A_117 = arith.extui %ne3A_116 : i1 to i32
    %cond3A_118 = arith.constant 0 : i32
    %cond3A_119 = arith.cmpi ne, %convert_element_type3A_117, %cond3A_118 : i32
    scf.if %cond3A_119 {
      %get3A_120 = arith.constant 0 : index
      %get3A_121 = arith.constant 0 : index
      %get3A_122 = arith.constant 0 : index
      %get3A_123 = vector.load %arg12[%get3A_120, %get3A_121, %get3A_122] : memref<64x16x16xf32, #tpu.memory_space<vmem>>, vector<64x16x16xf32>
      %add3A_124 = arith.addf %get3A_123, %dot_general3A_113 : vector<64x16x16xf32>
      %swap3A_125 = arith.constant 0 : index
      %swap3A_126 = arith.constant 0 : index
      %swap3A_127 = arith.constant 0 : index
      %swap3A_128 = vector.load %arg12[%swap3A_125, %swap3A_126, %swap3A_127] : memref<64x16x16xf32, #tpu.memory_space<vmem>>, vector<64x16x16xf32>
      tpu.vector_store %arg12[%swap3A_125, %swap3A_126, %swap3A_127], %add3A_124 {strides = array<i32>} : memref<64x16x16xf32, #tpu.memory_space<vmem>>, vector<64x16x16xf32>,
    } else {
    }
    return
  }
  func.func @transform_0(%arg0: i32, %arg1: i32) -> (i32, i32, i32) {
    %c0_i32 = arith.constant 0 : i32
    %c0_i32_0 = arith.constant 0 : i32
    return %arg0, %arg1, %c0_i32 : i32, i32, i32
  }
  func.func @transform_1(%arg0: i32, %arg1: i32) -> (i32, i32, i32) {
    %c0_i32 = arith.constant 0 : i32
    %c0_i32_0 = arith.constant 0 : i32
    return %arg0, %arg1, %c0_i32 : i32, i32, i32
  }
  func.func @transform_2(%arg0: i32, %arg1: i32) -> (i32, i32, i32) {
    %mul3A = arith.constant 16 : i32
    %mul3A_0 = arith.muli %arg0, %mul3A : i32
    %add3A = arith.addi %mul3A_0, %arg1 : i32
    %c0_i32 = arith.constant 0 : i32
    %c0_i32_1 = arith.constant 0 : i32
    %c0_i32_2 = arith.constant 0 : i32
    return %add3A, %c0_i32, %c0_i32_1 : i32, i32, i32
  }
  func.func @transform_3(%arg0: i32, %arg1: i32) -> (i32, i32, i32) {
    %mul3A = arith.constant 16 : i32
    %mul3A_0 = arith.muli %arg0, %mul3A : i32
    %add3A = arith.addi %mul3A_0, %arg1 : i32
    %c0_i32 = arith.constant 0 : i32
    %c0_i32_1 = arith.constant 0 : i32
    %c0_i32_2 = arith.constant 0 : i32
    return %add3A, %c0_i32, %c0_i32_1 : i32, i32, i32
  }
  func.func @transform_4(%arg0: i32, %arg1: i32) -> (i32, i32) {
    %c0_i32 = arith.constant 0 : i32
    %c0_i32_0 = arith.constant 0 : i32
    %c0_i32_1 = arith.constant 0 : i32
    return %c0_i32, %c0_i32_0 : i32, i32
  }
  func.func @transform_5(%arg0: i32, %arg1: i32) -> (i32, i32) {
    %c0_i32 = arith.constant 0 : i32
    %c0_i32_0 = arith.constant 0 : i32
    %c0_i32_1 = arith.constant 0 : i32
    return %c0_i32, %c0_i32_0 : i32, i32
  }
  func.func @transform_6(%arg0: i32, %arg1: i32) -> (i32, i32) {
    %c0_i32 = arith.constant 0 : i32
    %c0_i32_0 = arith.constant 0 : i32
    %c0_i32_1 = arith.constant 0 : i32
    return %c0_i32, %c0_i32_0 : i32, i32
  }
  func.func @transform_7(%arg0: i32, %arg1: i32) -> (i32, i32) {
    %c0_i32 = arith.constant 0 : i32
    %c0_i32_0 = arith.constant 0 : i32
    %c0_i32_1 = arith.constant 0 : i32
    return %c0_i32, %c0_i32_0 : i32, i32
  }
  func.func @transform_8(%arg0: i32, %arg1: i32) -> (i32, i32) {
    %mul3A = arith.constant 16 : i32
    %mul3A_0 = arith.muli %arg0, %mul3A : i32
    %add3A = arith.addi %mul3A_0, %arg1 : i32
    %c0_i32 = arith.constant 0 : i32
    %c0_i32_1 = arith.constant 0 : i32
    return %add3A, %c0_i32 : i32, i32
  }
  func.func @transform_9(%arg0: i32, %arg1: i32) -> (i32, i32) {
    %mul3A = arith.constant 16 : i32
    %mul3A_0 = arith.muli %arg0, %mul3A : i32
    %add3A = arith.addi %mul3A_0, %arg1 : i32
    %c0_i32 = arith.constant 0 : i32
    %c0_i32_1 = arith.constant 0 : i32
    return %add3A, %c0_i32 : i32, i32
  }
  func.func @transform_10(%arg0: i32, %arg1: i32) -> (i32, i32, i32) {
    %c0_i32 = arith.constant 0 : i32
    %c0_i32_0 = arith.constant 0 : i32
    %c0_i32_1 = arith.constant 0 : i32
    return %arg0, %c0_i32, %c0_i32_0 : i32, i32, i32
  }
}

module attributes {stable_mosaic.version = 14 : i64} {
  func.func @_k3_body(%arg0: i32, %arg1: i32, %arg2: memref<64x16x16xf32, #tpu.memory_space<vmem>>, %arg3: memref<8192x64xf32, #tpu.memory_space<vmem>>, %arg4: memref<8192x64xf32, #tpu.memory_space<vmem>>, %arg5: memref<512x128xf32, #tpu.memory_space<vmem>>) attributes {dimension_semantics = [#tpu.dimension_semantics<arbitrary>, #tpu.dimension_semantics<arbitrary>], iteration_bounds = array<i64: 2, 8>, scalar_prefetch = 0 : i64, scratch_operands = 0 : i64, tpu.core_type = #tpu.core_type<tc>, window_params = [{transform_indices = @transform_0, window_bounds = array<i64: 64, 16, 16>}, {transform_indices = @transform_1, window_bounds = array<i64: 8192, 64>}, {transform_indices = @transform_2, window_bounds = array<i64: 8192, 64>}, {transform_indices = @transform_3, window_bounds = array<i64: 512, 128>}]} {
    %get3A = arith.constant 0 : index
    %get3A_0 = arith.constant 0 : index
    %get3A_1 = arith.constant 0 : index
    %get3A_2 = vector.load %arg2[%get3A, %get3A_0, %get3A_1] : memref<64x16x16xf32, #tpu.memory_space<vmem>>, vector<64x16x16xf32>
    %reduce_max3A = arith.constant dense<0xFF800000> : vector<64x16xf32>
    %reduce_max3A_3 = vector.multi_reduction <maximumf>, %get3A_2, %reduce_max3A [2] : vector<64x16x16xf32> to vector<64x16xf32>
    %broadcast_in_dim3A = vector.shape_cast %reduce_max3A_3 : vector<64x16xf32> to vector<64x16x1xf32>
    %sub3A = vector.broadcast %broadcast_in_dim3A : vector<64x16x1xf32> to vector<64x16x16xf32>
    %sub3A_4 = arith.subf %get3A_2, %sub3A : vector<64x16x16xf32>
    %exp3A = math.exp %sub3A_4 : vector<64x16x16xf32>
    %reduce_sum3A = arith.constant dense<0.000000e+00> : vector<64x16xf32>
    %reduce_sum3A_5 = vector.multi_reduction <add>, %exp3A, %reduce_sum3A [2] : vector<64x16x16xf32> to vector<64x16xf32>
    %broadcast_in_dim3A_6 = vector.shape_cast %reduce_sum3A_5 : vector<64x16xf32> to vector<64x16x1xf32>
    %div3A = vector.broadcast %broadcast_in_dim3A_6 : vector<64x16x1xf32> to vector<64x16x16xf32>
    %div3A_7 = arith.divf %exp3A, %div3A : vector<64x16x16xf32>
    %div3A_8 = arith.constant 1.73205078 : f32
    %div3A_9 = vector.broadcast %div3A_8 : f32 to vector<64x16x16xf32>
    %div3A_10 = arith.divf %div3A_7, %div3A_9 : vector<64x16x16xf32>
    %max3A = arith.constant 1.000000e-10 : f32
    %max3A_11 = vector.broadcast %max3A : f32 to vector<64x16x16xf32>
    %max3A_12 = arith.maximumf %div3A_10, %max3A_11 : vector<64x16x16xf32>
    %reduce_sum3A_13 = arith.constant dense<0.000000e+00> : vector<64x16xf32>
    %reduce_sum3A_14 = vector.multi_reduction <add>, %max3A_12, %reduce_sum3A_13 [2] : vector<64x16x16xf32> to vector<64x16xf32>
    %transpose3A = tpu.transpose %reduce_sum3A_14, [1, 0] : vector<64x16xf32> -> vector<16x64xf32>
    %reduce_sum3A_15 = arith.constant dense<0.000000e+00> : vector<64x16xf32>
    %reduce_sum3A_16 = vector.multi_reduction <add>, %max3A_12, %reduce_sum3A_15 [1] : vector<64x16x16xf32> to vector<64x16xf32>
    %transpose3A_17 = tpu.transpose %reduce_sum3A_16, [1, 0] : vector<64x16xf32> -> vector<16x64xf32>
    %get3A_18 = arith.constant 0 : index
    %get3A_19 = arith.constant 0 : index
    %get3A_20 = vector.load %arg3[%get3A_18, %get3A_19] : memref<8192x64xf32, #tpu.memory_space<vmem>>, vector<8192x64xf32>
    %reshape3A = vector.shape_cast %get3A_20 : vector<8192x64xf32> to vector<512x16x64xf32>
    %get3A_21 = arith.constant 0 : index
    %get3A_22 = arith.constant 0 : index
    %get3A_23 = vector.load %arg4[%get3A_21, %get3A_22] : memref<8192x64xf32, #tpu.memory_space<vmem>>, vector<8192x64xf32>
    %reshape3A_24 = vector.shape_cast %get3A_23 : vector<8192x64xf32> to vector<512x16x64xf32>
    %broadcast_in_dim3A_25 = vector.shape_cast %transpose3A_17 : vector<16x64xf32> to vector<1x16x64xf32>
    %mul3A = vector.broadcast %broadcast_in_dim3A_25 : vector<1x16x64xf32> to vector<512x16x64xf32>
    %mul3A_26 = arith.mulf %reshape3A, %mul3A : vector<512x16x64xf32>
    %reduce_sum3A_27 = arith.constant dense<0.000000e+00> : vector<512x64xf32>
    %reduce_sum3A_28 = vector.multi_reduction <add>, %mul3A_26, %reduce_sum3A_27 [1] : vector<512x16x64xf32> to vector<512x64xf32>
    %broadcast_in_dim3A_29 = vector.shape_cast %transpose3A : vector<16x64xf32> to vector<1x16x64xf32>
    %mul3A_30 = vector.broadcast %broadcast_in_dim3A_29 : vector<1x16x64xf32> to vector<512x16x64xf32>
    %mul3A_31 = arith.mulf %reshape3A_24, %mul3A_30 : vector<512x16x64xf32>
    %reduce_sum3A_32 = arith.constant dense<0.000000e+00> : vector<512x64xf32>
    %reduce_sum3A_33 = vector.multi_reduction <add>, %mul3A_31, %reduce_sum3A_32 [1] : vector<512x16x64xf32> to vector<512x64xf32>
    %concatenate3A = tpu.concatenate %reduce_sum3A_28, %reduce_sum3A_33 in 1 : vector<512x64xf32>, vector<512x64xf32> -> vector<512x128xf32>
    %swap3A = arith.constant 0 : index
    %swap3A_34 = arith.constant 0 : index
    %swap3A_35 = vector.load %arg5[%swap3A, %swap3A_34] : memref<512x128xf32, #tpu.memory_space<vmem>>, vector<512x128xf32>
    tpu.vector_store %arg5[%swap3A, %swap3A_34], %concatenate3A {strides = array<i32>} : memref<512x128xf32, #tpu.memory_space<vmem>>, vector<512x128xf32>,
    return
  }
  func.func @transform_0(%arg0: i32, %arg1: i32) -> (i32, i32, i32) {
    %c0_i32 = arith.constant 0 : i32
    %c0_i32_0 = arith.constant 0 : i32
    %c0_i32_1 = arith.constant 0 : i32
    return %arg0, %c0_i32, %c0_i32_0 : i32, i32, i32
  }
  func.func @transform_1(%arg0: i32, %arg1: i32) -> (i32, i32) {
    %mul3A = arith.constant 8 : i32
    %mul3A_0 = arith.muli %arg0, %mul3A : i32
    %add3A = arith.addi %mul3A_0, %arg1 : i32
    %c0_i32 = arith.constant 0 : i32
    %c0_i32_1 = arith.constant 0 : i32
    return %add3A, %c0_i32 : i32, i32
  }
  func.func @transform_2(%arg0: i32, %arg1: i32) -> (i32, i32) {
    %mul3A = arith.constant 8 : i32
    %mul3A_0 = arith.muli %arg0, %mul3A : i32
    %add3A = arith.addi %mul3A_0, %arg1 : i32
    %c0_i32 = arith.constant 0 : i32
    %c0_i32_1 = arith.constant 0 : i32
    return %add3A, %c0_i32 : i32, i32
  }
  func.func @transform_3(%arg0: i32, %arg1: i32) -> (i32, i32) {
    %mul3A = arith.constant 8 : i32
    %mul3A_0 = arith.muli %arg0, %mul3A : i32
    %add3A = arith.addi %mul3A_0, %arg1 : i32
    %c0_i32 = arith.constant 0 : i32
    %c0_i32_1 = arith.constant 0 : i32
    return %add3A, %c0_i32 : i32, i32
  }
}

module attributes {stable_mosaic.version = 14 : i64} {
  func.func @_w1_body(%arg0: memref<3x131072xf32, #tpu.memory_space<vmem>>, %arg1: memref<3x131072xf32, #tpu.memory_space<vmem>>, %arg2: memref<8x3xf32, #tpu.memory_space<vmem>>, %arg3: memref<8x1xf32, #tpu.memory_space<vmem>>, %arg4: memref<8x8xf32, #tpu.memory_space<vmem>>, %arg5: memref<8x1xf32, #tpu.memory_space<vmem>>, %arg6: memref<64x8xf32, #tpu.memory_space<vmem>>, %arg7: memref<1x64xf32, #tpu.memory_space<vmem>>, %arg8: memref<8x131072xf32, #tpu.memory_space<vmem>>, %arg9: memref<8x64xf32, #tpu.memory_space<vmem>>) attributes {dimension_semantics = [], scalar_prefetch = 0 : i64, scratch_operands = 0 : i64, tpu.core_type = #tpu.core_type<tc>} {
    %get3A = arith.constant 0 : index
    %get3A_0 = arith.constant 0 : index
    %get3A_1 = vector.load %arg0[%get3A, %get3A_0] : memref<3x131072xf32, #tpu.memory_space<vmem>>, vector<3x131072xf32>
    %get3A_2 = arith.constant 0 : index
    %get3A_3 = arith.constant 0 : index
    %get3A_4 = vector.load %arg1[%get3A_2, %get3A_3] : memref<3x131072xf32, #tpu.memory_space<vmem>>, vector<3x131072xf32>
    %sub3A = arith.subf %get3A_1, %get3A_4 : vector<3x131072xf32>
    %get3A_5 = arith.constant 0 : index
    %get3A_6 = arith.constant 0 : index
    %get3A_7 = vector.load %arg2[%get3A_5, %get3A_6] : memref<8x3xf32, #tpu.memory_space<vmem>>, vector<8x3xf32>
    %get3A_8 = arith.constant 0 : index
    %get3A_9 = arith.constant 0 : index
    %get3A_10 = vector.load %arg4[%get3A_8, %get3A_9] : memref<8x8xf32, #tpu.memory_space<vmem>>, vector<8x8xf32>
    %get3A_11 = arith.constant 0 : index
    %get3A_12 = arith.constant 0 : index
    %get3A_13 = vector.load %arg6[%get3A_11, %get3A_12] : memref<64x8xf32, #tpu.memory_space<vmem>>, vector<64x8xf32>
    %dot_general3A = arith.constant dense<0.000000e+00> : vector<8x131072xf32>
    %dot_general3A_14 = tpu.matmul %get3A_7, %sub3A, %dot_general3A {dimension_numbers = #tpu.dot_dimension_numbers<[1], [0], [0], [1], [0, 0, 1, 1], [], []>, precision = #tpu.contract_precision<fp32>, transpose_lhs_hint = false} : vector<8x3xf32>, vector<3x131072xf32>, vector<8x131072xf32> -> vector<8x131072xf32>
    %get3A_15 = arith.constant 0 : index
    %get3A_16 = arith.constant 0 : index
    %get3A_17 = vector.load %arg3[%get3A_15, %get3A_16] : memref<8x1xf32, #tpu.memory_space<vmem>>, vector<8x1xf32>
    %add3A = vector.broadcast %get3A_17 : vector<8x1xf32> to vector<8x131072xf32>
    %add3A_18 = arith.addf %dot_general3A_14, %add3A : vector<8x131072xf32>
    %reduce_sum3A = arith.constant dense<0.000000e+00> : vector<8xf32>
    %reduce_sum3A_19 = vector.multi_reduction <add>, %add3A_18, %reduce_sum3A [1] : vector<8x131072xf32> to vector<8xf32>
    %broadcast_in_dim3A = vector.shape_cast %reduce_sum3A_19 : vector<8xf32> to vector<8x1xf32>
    %div3A = arith.constant 1.310720e+05 : f32
    %div3A_20 = vector.broadcast %div3A : f32 to vector<8x1xf32>
    %div3A_21 = arith.divf %broadcast_in_dim3A, %div3A_20 : vector<8x1xf32>
    %sub3A_22 = vector.broadcast %div3A_21 : vector<8x1xf32> to vector<8x131072xf32>
    %sub3A_23 = arith.subf %add3A_18, %sub3A_22 : vector<8x131072xf32>
    %sub3A_24 = vector.broadcast %div3A_21 : vector<8x1xf32> to vector<8x131072xf32>
    %sub3A_25 = arith.subf %add3A_18, %sub3A_24 : vector<8x131072xf32>
    %mul3A = arith.mulf %sub3A_23, %sub3A_25 : vector<8x131072xf32>
    %reduce_sum3A_26 = arith.constant dense<0.000000e+00> : vector<8xf32>
    %reduce_sum3A_27 = vector.multi_reduction <add>, %mul3A, %reduce_sum3A_26 [1] : vector<8x131072xf32> to vector<8xf32>
    %broadcast_in_dim3A_28 = vector.shape_cast %reduce_sum3A_27 : vector<8xf32> to vector<8x1xf32>
    %div3A_29 = arith.constant 1.310720e+05 : f32
    %div3A_30 = vector.broadcast %div3A_29 : f32 to vector<8x1xf32>
    %div3A_31 = arith.divf %broadcast_in_dim3A_28, %div3A_30 : vector<8x1xf32>
    %sub3A_32 = vector.broadcast %div3A_21 : vector<8x1xf32> to vector<8x131072xf32>
    %sub3A_33 = arith.subf %add3A_18, %sub3A_32 : vector<8x131072xf32>
    %add3A_34 = arith.constant 9.99999974E-6 : f32
    %add3A_35 = vector.broadcast %add3A_34 : f32 to vector<8x1xf32>
    %add3A_36 = arith.addf %div3A_31, %add3A_35 : vector<8x1xf32>
    %sqrt3A = math.sqrt %add3A_36 : vector<8x1xf32>
    %div3A_37 = vector.broadcast %sqrt3A : vector<8x1xf32> to vector<8x131072xf32>
    %div3A_38 = arith.divf %sub3A_33, %div3A_37 : vector<8x131072xf32>
    %max3A = arith.constant 0.000000e+00 : f32
    %max3A_39 = vector.broadcast %max3A : f32 to vector<8x131072xf32>
    %max3A_40 = arith.maximumf %div3A_38, %max3A_39 : vector<8x131072xf32>
    %dot_general3A_41 = arith.constant dense<0.000000e+00> : vector<8x131072xf32>
    %dot_general3A_42 = tpu.matmul %get3A_10, %max3A_40, %dot_general3A_41 {dimension_numbers = #tpu.dot_dimension_numbers<[1], [0], [0], [1], [0, 0, 1, 1], [], []>, precision = #tpu.contract_precision<fp32>, transpose_lhs_hint = false} : vector<8x8xf32>, vector<8x131072xf32>, vector<8x131072xf32> -> vector<8x131072xf32>
    %get3A_43 = arith.constant 0 : index
    %get3A_44 = arith.constant 0 : index
    %get3A_45 = vector.load %arg5[%get3A_43, %get3A_44] : memref<8x1xf32, #tpu.memory_space<vmem>>, vector<8x1xf32>
    %add3A_46 = vector.broadcast %get3A_45 : vector<8x1xf32> to vector<8x131072xf32>
    %add3A_47 = arith.addf %dot_general3A_42, %add3A_46 : vector<8x131072xf32>
    %reduce_sum3A_48 = arith.constant dense<0.000000e+00> : vector<8xf32>
    %reduce_sum3A_49 = vector.multi_reduction <add>, %add3A_47, %reduce_sum3A_48 [1] : vector<8x131072xf32> to vector<8xf32>
    %broadcast_in_dim3A_50 = vector.shape_cast %reduce_sum3A_49 : vector<8xf32> to vector<8x1xf32>
    %div3A_51 = arith.constant 1.310720e+05 : f32
    %div3A_52 = vector.broadcast %div3A_51 : f32 to vector<8x1xf32>
    %div3A_53 = arith.divf %broadcast_in_dim3A_50, %div3A_52 : vector<8x1xf32>
    %sub3A_54 = vector.broadcast %div3A_53 : vector<8x1xf32> to vector<8x131072xf32>
    %sub3A_55 = arith.subf %add3A_47, %sub3A_54 : vector<8x131072xf32>
    %sub3A_56 = vector.broadcast %div3A_53 : vector<8x1xf32> to vector<8x131072xf32>
    %sub3A_57 = arith.subf %add3A_47, %sub3A_56 : vector<8x131072xf32>
    %mul3A_58 = arith.mulf %sub3A_55, %sub3A_57 : vector<8x131072xf32>
    %reduce_sum3A_59 = arith.constant dense<0.000000e+00> : vector<8xf32>
    %reduce_sum3A_60 = vector.multi_reduction <add>, %mul3A_58, %reduce_sum3A_59 [1] : vector<8x131072xf32> to vector<8xf32>
    %broadcast_in_dim3A_61 = vector.shape_cast %reduce_sum3A_60 : vector<8xf32> to vector<8x1xf32>
    %div3A_62 = arith.constant 1.310720e+05 : f32
    %div3A_63 = vector.broadcast %div3A_62 : f32 to vector<8x1xf32>
    %div3A_64 = arith.divf %broadcast_in_dim3A_61, %div3A_63 : vector<8x1xf32>
    %sub3A_65 = vector.broadcast %div3A_53 : vector<8x1xf32> to vector<8x131072xf32>
    %sub3A_66 = arith.subf %add3A_47, %sub3A_65 : vector<8x131072xf32>
    %add3A_67 = arith.constant 9.99999974E-6 : f32
    %add3A_68 = vector.broadcast %add3A_67 : f32 to vector<8x1xf32>
    %add3A_69 = arith.addf %div3A_64, %add3A_68 : vector<8x1xf32>
    %sqrt3A_70 = math.sqrt %add3A_69 : vector<8x1xf32>
    %div3A_71 = vector.broadcast %sqrt3A_70 : vector<8x1xf32> to vector<8x131072xf32>
    %div3A_72 = arith.divf %sub3A_66, %div3A_71 : vector<8x131072xf32>
    %max3A_73 = arith.constant 0.000000e+00 : f32
    %max3A_74 = vector.broadcast %max3A_73 : f32 to vector<8x131072xf32>
    %max3A_75 = arith.maximumf %div3A_72, %max3A_74 : vector<8x131072xf32>
    %swap3A = arith.constant 0 : index
    %swap3A_76 = arith.constant 0 : index
    %swap3A_77 = vector.load %arg8[%swap3A, %swap3A_76] : memref<8x131072xf32, #tpu.memory_space<vmem>>, vector<8x131072xf32>
    tpu.vector_store %arg8[%swap3A, %swap3A_76], %max3A_75 {strides = array<i32>} : memref<8x131072xf32, #tpu.memory_space<vmem>>, vector<8x131072xf32>,
    %reduce_sum3A_78 = arith.constant dense<0.000000e+00> : vector<8xf32>
    %reduce_sum3A_79 = vector.multi_reduction <add>, %max3A_75, %reduce_sum3A_78 [1] : vector<8x131072xf32> to vector<8xf32>
    %broadcast_in_dim3A_80 = vector.shape_cast %reduce_sum3A_79 : vector<8xf32> to vector<8x1xf32>
    %div3A_81 = arith.constant 1.310720e+05 : f32
    %div3A_82 = vector.broadcast %div3A_81 : f32 to vector<8x1xf32>
    %div3A_83 = arith.divf %broadcast_in_dim3A_80, %div3A_82 : vector<8x1xf32>
    %dot_general3A_84 = arith.constant dense<0.000000e+00> : vector<8x8xf32>
    %dot_general3A_85 = tpu.matmul %max3A_75, %max3A_75, %dot_general3A_84 {dimension_numbers = #tpu.dot_dimension_numbers<[1], [1], [0], [0], [0, 0, 1, 0], [], []>, precision = #tpu.contract_precision<fp32>, transpose_lhs_hint = false} : vector<8x131072xf32>, vector<8x131072xf32>, vector<8x8xf32> -> vector<8x8xf32>
    %div3A_86 = arith.constant 1.310720e+05 : f32
    %div3A_87 = vector.broadcast %div3A_86 : f32 to vector<8x8xf32>
    %div3A_88 = arith.divf %dot_general3A_85, %div3A_87 : vector<8x8xf32>
    %dot_general3A_89 = arith.constant dense<0.000000e+00> : vector<64x1xf32>
    %dot_general3A_90 = tpu.matmul %get3A_13, %div3A_83, %dot_general3A_89 {dimension_numbers = #tpu.dot_dimension_numbers<[1], [0], [0], [1], [0, 0, 1, 1], [], []>, precision = #tpu.contract_precision<fp32>, transpose_lhs_hint = false} : vector<64x8xf32>, vector<8x1xf32>, vector<64x1xf32> -> vector<64x1xf32>
    %transpose3A = tpu.transpose %dot_general3A_90, [1, 0] : vector<64x1xf32> -> vector<1x64xf32>
    %get3A_91 = arith.constant 0 : index
    %get3A_92 = arith.constant 0 : index
    %get3A_93 = vector.load %arg7[%get3A_91, %get3A_92] : memref<1x64xf32, #tpu.memory_space<vmem>>, vector<1x64xf32>
    %add3A_94 = arith.addf %transpose3A, %get3A_93 : vector<1x64xf32>
    %dot_general3A_95 = arith.constant dense<0.000000e+00> : vector<64x8xf32>
    %dot_general3A_96 = tpu.matmul %get3A_13, %div3A_88, %dot_general3A_95 {dimension_numbers = #tpu.dot_dimension_numbers<[1], [0], [0], [1], [0, 0, 1, 1], [], []>, precision = #tpu.contract_precision<fp32>, transpose_lhs_hint = false} : vector<64x8xf32>, vector<8x8xf32>, vector<64x8xf32> -> vector<64x8xf32>
    %mul3A_97 = arith.mulf %dot_general3A_96, %get3A_13 : vector<64x8xf32>
    %reduce_sum3A_98 = arith.constant dense<0.000000e+00> : vector<64xf32>
    %reduce_sum3A_99 = vector.multi_reduction <add>, %mul3A_97, %reduce_sum3A_98 [1] : vector<64x8xf32> to vector<64xf32>
    %broadcast_in_dim3A_100 = vector.shape_cast %reduce_sum3A_99 : vector<64xf32> to vector<1x64xf32>
    %mul3A_101 = arith.mulf %add3A_94, %add3A_94 : vector<1x64xf32>
    %sub3A_102 = arith.subf %broadcast_in_dim3A_100, %mul3A_101 : vector<1x64xf32>
    %iota3A = tpu.iota {dimensions = array<i32: 0>} : vector<8x64xi32>
    %eq3A = arith.constant 0 : i32
    %eq3A_103 = vector.broadcast %eq3A : i32 to vector<8x64xi32>
    %eq3A_104 = arith.cmpi eq, %iota3A, %eq3A_103 : vector<8x64xi32>
    %eq3A_105 = arith.constant 1 : i32
    %eq3A_106 = vector.broadcast %eq3A_105 : i32 to vector<8x64xi32>
    %eq3A_107 = arith.cmpi eq, %iota3A, %eq3A_106 : vector<8x64xi32>
    %jit3A = arith.constant 0.000000e+00 : f32
    %broadcast_in_dim3A_108 = vector.shape_cast %sub3A_102 : vector<1x64xf32> to vector<1x64xf32>
    %broadcast_in_dim3A_109 = vector.broadcast %broadcast_in_dim3A_108 : vector<1x64xf32> to vector<8x64xf32>
    %broadcast_in_dim3A_110 = vector.broadcast %jit3A : f32 to vector<8x64xf32>
    %select_n3A = arith.select %eq3A_107, %broadcast_in_dim3A_109, %broadcast_in_dim3A_110 : vector<8x64xi1>, vector<8x64xf32>
    %broadcast_in_dim3A_111 = vector.shape_cast %add3A_94 : vector<1x64xf32> to vector<1x64xf32>
    %broadcast_in_dim3A_112 = vector.broadcast %broadcast_in_dim3A_111 : vector<1x64xf32> to vector<8x64xf32>
    %select_n3A_113 = arith.select %eq3A_104, %broadcast_in_dim3A_112, %select_n3A : vector<8x64xi1>, vector<8x64xf32>
    %swap3A_114 = arith.constant 0 : index
    %swap3A_115 = arith.constant 0 : index
    %swap3A_116 = vector.load %arg9[%swap3A_114, %swap3A_115] : memref<8x64xf32, #tpu.memory_space<vmem>>, vector<8x64xf32>
    tpu.vector_store %arg9[%swap3A_114, %swap3A_115], %select_n3A_113 {strides = array<i32>} : memref<8x64xf32, #tpu.memory_space<vmem>>, vector<8x64xf32>,
    return
  }
}

module attributes {stable_mosaic.version = 14 : i64} {
  func.func @_w2_body(%arg0: i32, %arg1: memref<8x8192xf32, #tpu.memory_space<vmem>>, %arg2: memref<8192x128xf32, #tpu.memory_space<vmem>>, %arg3: memref<8x64xf32, #tpu.memory_space<vmem>>, %arg4: memref<64x8xf32, #tpu.memory_space<vmem>>, %arg5: memref<1x64xf32, #tpu.memory_space<vmem>>, %arg6: memref<512x64xf32, #tpu.memory_space<vmem>>, %arg7: memref<512x64xf32, #tpu.memory_space<vmem>>) attributes {dimension_semantics = [#tpu.dimension_semantics<arbitrary>], iteration_bounds = array<i64: 16>, scalar_prefetch = 0 : i64, scratch_operands = 0 : i64, tpu.core_type = #tpu.core_type<tc>, window_params = [{transform_indices = @transform_0, window_bounds = array<i64: 8, 8192>}, {transform_indices = @transform_1, window_bounds = array<i64: 8192, 128>}, {pipeline_mode = #tpu.pipeline_mode<synchronous>, transform_indices = @transform_2, window_bounds = array<i64: 8, 64>}, {pipeline_mode = #tpu.pipeline_mode<synchronous>, transform_indices = @transform_3, window_bounds = array<i64: 64, 8>}, {pipeline_mode = #tpu.pipeline_mode<synchronous>, transform_indices = @transform_4, window_bounds = array<i64: 1, 64>}, {transform_indices = @transform_5, window_bounds = array<i64: 512, 64>}, {transform_indices = @transform_6, window_bounds = array<i64: 512, 64>}]} {
    %get3A = arith.constant 0 : index
    %get3A_0 = arith.constant 0 : index
    %get3A_1 = vector.load %arg1[%get3A, %get3A_0] : memref<8x8192xf32, #tpu.memory_space<vmem>>, vector<8x8192xf32>
    %get3A_2 = arith.constant 0 : index
    %get3A_3 = arith.constant 0 : index
    %get3A_4 = vector.load %arg2[%get3A_2, %get3A_3] : memref<8192x128xf32, #tpu.memory_space<vmem>>, vector<8192x128xf32>
    %get3A_5 = arith.constant 0 : index
    %get3A_6 = arith.constant 0 : index
    %get3A_7 = vector.load %arg3[%get3A_5, %get3A_6] : memref<8x64xf32, #tpu.memory_space<vmem>>, vector<8x64xf32>
    %get3A_8 = arith.constant 0 : index
    %get3A_9 = arith.constant 0 : index
    %get3A_10 = vector.load %arg4[%get3A_8, %get3A_9] : memref<64x8xf32, #tpu.memory_space<vmem>>, vector<64x8xf32>
    %dot_general3A = arith.constant dense<0.000000e+00> : vector<64x8192xf32>
    %dot_general3A_11 = tpu.matmul %get3A_10, %get3A_1, %dot_general3A {dimension_numbers = #tpu.dot_dimension_numbers<[1], [0], [0], [1], [0, 0, 1, 1], [], []>, precision = #tpu.contract_precision<fp32>, transpose_lhs_hint = false} : vector<64x8xf32>, vector<8x8192xf32>, vector<64x8192xf32> -> vector<64x8192xf32>
    %transpose3A = tpu.transpose %dot_general3A_11, [1, 0] : vector<64x8192xf32> -> vector<8192x64xf32>
    %get3A_12 = arith.constant 0 : index
    %get3A_13 = arith.constant 0 : index
    %get3A_14 = vector.load %arg5[%get3A_12, %get3A_13] : memref<1x64xf32, #tpu.memory_space<vmem>>, vector<1x64xf32>
    %add3A = vector.broadcast %get3A_14 : vector<1x64xf32> to vector<8192x64xf32>
    %add3A_15 = arith.addf %transpose3A, %add3A : vector<8192x64xf32>
    %slice3A = vector.extract_strided_slice %get3A_7 {offsets = [0, 0], sizes = [1, 64], strides = [1, 1]} : vector<8x64xf32> to vector<1x64xf32>
    %sub3A = vector.broadcast %slice3A : vector<1x64xf32> to vector<8192x64xf32>
    %sub3A_16 = arith.subf %add3A_15, %sub3A : vector<8192x64xf32>
    %slice3A_17 = vector.extract_strided_slice %get3A_7 {offsets = [1, 0], sizes = [1, 64], strides = [1, 1]} : vector<8x64xf32> to vector<1x64xf32>
    %add3A_18 = arith.constant 9.99999974E-6 : f32
    %add3A_19 = vector.broadcast %add3A_18 : f32 to vector<1x64xf32>
    %add3A_20 = arith.addf %slice3A_17, %add3A_19 : vector<1x64xf32>
    %sqrt3A = math.sqrt %add3A_20 : vector<1x64xf32>
    %div3A = vector.broadcast %sqrt3A : vector<1x64xf32> to vector<8192x64xf32>
    %div3A_21 = arith.divf %sub3A_16, %div3A : vector<8192x64xf32>
    %max3A = arith.constant 0.000000e+00 : f32
    %max3A_22 = vector.broadcast %max3A : f32 to vector<8192x64xf32>
    %max3A_23 = arith.maximumf %div3A_21, %max3A_22 : vector<8192x64xf32>
    %slice3A_24 = vector.extract_strided_slice %get3A_4 {offsets = [0, 0], sizes = [8192, 64], strides = [1, 1]} : vector<8192x128xf32> to vector<8192x64xf32>
    %mul3A = arith.mulf %max3A_23, %slice3A_24 : vector<8192x64xf32>
    %reshape3A = vector.shape_cast %mul3A : vector<8192x64xf32> to vector<512x16x64xf32>
    %reduce_sum3A = arith.constant dense<0.000000e+00> : vector<512x64xf32>
    %reduce_sum3A_25 = vector.multi_reduction <add>, %reshape3A, %reduce_sum3A [1] : vector<512x16x64xf32> to vector<512x64xf32>
    %swap3A = arith.constant 0 : index
    %swap3A_26 = arith.constant 0 : index
    %swap3A_27 = vector.load %arg6[%swap3A, %swap3A_26] : memref<512x64xf32, #tpu.memory_space<vmem>>, vector<512x64xf32>
    tpu.vector_store %arg6[%swap3A, %swap3A_26], %reduce_sum3A_25 {strides = array<i32>} : memref<512x64xf32, #tpu.memory_space<vmem>>, vector<512x64xf32>,
    %slice3A_28 = vector.extract_strided_slice %get3A_4 {offsets = [0, 64], sizes = [8192, 64], strides = [1, 1]} : vector<8192x128xf32> to vector<8192x64xf32>
    %mul3A_29 = arith.mulf %max3A_23, %slice3A_28 : vector<8192x64xf32>
    %reshape3A_30 = vector.shape_cast %mul3A_29 : vector<8192x64xf32> to vector<512x16x64xf32>
    %reduce_sum3A_31 = arith.constant dense<0.000000e+00> : vector<512x64xf32>
    %reduce_sum3A_32 = vector.multi_reduction <add>, %reshape3A_30, %reduce_sum3A_31 [1] : vector<512x16x64xf32> to vector<512x64xf32>
    %swap3A_33 = arith.constant 0 : index
    %swap3A_34 = arith.constant 0 : index
    %swap3A_35 = vector.load %arg7[%swap3A_33, %swap3A_34] : memref<512x64xf32, #tpu.memory_space<vmem>>, vector<512x64xf32>
    tpu.vector_store %arg7[%swap3A_33, %swap3A_34], %reduce_sum3A_32 {strides = array<i32>} : memref<512x64xf32, #tpu.memory_space<vmem>>, vector<512x64xf32>,
    return
  }
  func.func @transform_0(%arg0: i32) -> (i32, i32) {
    %c0_i32 = arith.constant 0 : i32
    %c0_i32_0 = arith.constant 0 : i32
    return %c0_i32, %arg0 : i32, i32
  }
  func.func @transform_1(%arg0: i32) -> (i32, i32) {
    %c0_i32 = arith.constant 0 : i32
    %c0_i32_0 = arith.constant 0 : i32
    return %arg0, %c0_i32 : i32, i32
  }
  func.func @transform_2(%arg0: i32) -> (i32, i32) {
    %c0_i32 = arith.constant 0 : i32
    %c0_i32_0 = arith.constant 0 : i32
    %c0_i32_1 = arith.constant 0 : i32
    return %c0_i32, %c0_i32_0 : i32, i32
  }
  func.func @transform_3(%arg0: i32) -> (i32, i32) {
    %c0_i32 = arith.constant 0 : i32
    %c0_i32_0 = arith.constant 0 : i32
    %c0_i32_1 = arith.constant 0 : i32
    return %c0_i32, %c0_i32_0 : i32, i32
  }
  func.func @transform_4(%arg0: i32) -> (i32, i32) {
    %c0_i32 = arith.constant 0 : i32
    %c0_i32_0 = arith.constant 0 : i32
    %c0_i32_1 = arith.constant 0 : i32
    return %c0_i32, %c0_i32_0 : i32, i32
  }
  func.func @transform_5(%arg0: i32) -> (i32, i32) {
    %c0_i32 = arith.constant 0 : i32
    %c0_i32_0 = arith.constant 0 : i32
    return %arg0, %c0_i32 : i32, i32
  }
  func.func @transform_6(%arg0: i32) -> (i32, i32) {
    %c0_i32 = arith.constant 0 : i32
    %c0_i32_0 = arith.constant 0 : i32
    return %arg0, %c0_i32 : i32, i32
  }
}

</mosaic_0001>

<sc_bundles>
// kernel: kernel.13.cloned.1.call-start
scs
__scs_entry_jumppad:
0x0: {  	(pc) =	sbr.rel $0x88, $3  }
0x1: {  	(tag) =	ssettag $0x0;
	lr =	simm.s32 $0x1  }
0x2: {  	[smem:$0x3F92] =	sst lr;
	_ =	strace $0xD0000000  }
0x3: {  	_ = 	snop  }
0x4: {  	_ = 	snop  }
0x5: {  	_ = 	snop  }
0x6: {  	_ = 	snop  }
0x7: {  	_ = 	snop  }
__scs_overlays_trampoline_lowered:
0x8: {  	[smem:$0x3FA1] =	sst s0  }
0x9: {  	[smem:$0x3FA2] =	sst s1  }
0xa: {  	[smem:$0x3FA3] =	sst s2  }
0xb: {  	[smem:$0x3FA4] =	sst s3  }
0xc: {  	[smem:$0x3FA5] =	sst s4  }
0xd: {  	[smem:$0x3FA6] =	sst s5  }
0xe: {  	[smem:$0x3FA7] =	sst s6  }
0xf: {  	[smem:$0x3FA8] =	sst s7  }
0x10: {  	[smem:$0x3FA9] =	sst s8  }
0x11: {  	[smem:$0x3FAA] =	sst s9;
	s0 =	simm.s32 @!p0 $0x0  }
0x12: {  	s1 =	sld [smem:$0x3F90];
	s0 =	simm.s32 @p0 $0x1  }
0x13: {  	[smem:$0x3FAB] =	sst s0;
	s0 =	simm.s32 @!p1 $0x0  }
0x14: {  	s2 =	sld [smem:$0x3F8F];
	s0 =	simm.s32 @p1 $0x1  }
0x15: {  	[smem:$0x3FAC] =	sst s0;
	s0 =	simm.s32 @!p2 $0x0  }
0x16: {  	s3 =	sld [smem:$0x3FDB];
	s0 =	simm.s32 @p2 $0x1  }
0x17: {  	s4 =	simm.s32 $0x1BF5;
	[smem:$0x3FAE] =	sst s0  }
0x18: {  	s0 =	sld [smem:$0x3F91];
	_ =	swait.ge [sflag:s4], $0x0  }
0x19: {  	s7 =	sld [smem:$0x3F92]  }
0x1a: {  	s8 =	sadd.s32 $0xFFFFE003, lr  }
0x1b: {  	s9 =	sadd.s32 $0xFFFFFEF7, lr;
	s5 =	simm.s32 $0xFFFFFFFF;
	p2 =	slt.u32 s8, $0xFFFFF086  }
0x1c: {  	p1 =	slt.u32 s9, $0xF7A;
	s5 =	simm.s32 @!p2 $0x0  }
0x1d: {  	s5 =	simm.s32 @p1 $0x1;
	p0 =	seq.s32 s7, s2  }
0x1e: {  	s7 =	smul.u32 @!p0 $0xF7A, s2;
	p2 =	seq.s32 @!p0 s5, $0x0  }
0x1f: {  	s9 =	smul.u32 $0xF7A, s1;
	s8 =	simm.s32 @!p0 $0x1BF5;
	p2 =	por !p2, p0  }
0x20: {  	[sflag:s8] =	ssyncset.s32 @!p0 $0xFFFFF086;
	s6 =	sadd.s32 @!p0 s3, s7;
	s7 =	simm.s32 @!p0 $0x108  }
0x21: {  	s3 =	sadd.s32 s3, s9;
	s6 =	sadd.s32 @!p0 $0x88, s6;
	s7 =	simm.s32 @p2 $0x1082  }
0x22: {  	[simem:s7], [sflag:s8] =	dma.local @!p0 [hbm:s6], $0xF7A  }
0x23: {  	s9 =	sor.u32 $0xD0000000, s2;
	s6 =	simm.s32 $0x108;
	_ =	swait.ge @!p0 [sflag:s8], $0x0  }
0x24: {  	s3 =	sadd.s32 $0x88, s3;
	s6 =	simm.s32 @!p1 $0x1082;
	[sflag:s4] =	ssyncset.s32 $0xFFFFF086  }
0x25: {  	[simem:s6], [sflag:s4] =	dma.local [hbm:s3], $0xF7A  }
0x26: {  	[smem:$0x3F92] =	sst s1;
	(tag) =	ssettag s2;
	_ =	strace s9  }
0x27: {  	s1 =	sld [smem:$0x3FA2]  }
0x28: {  	s2 =	sld [smem:$0x3FA3]  }
0x29: {  	s4 =	sld [smem:$0x3FA5]  }
0x2a: {  	p0 =	seq.s32 s5, $0x0;
	s5 =	sld [smem:$0x3FA6]  }
0x2b: {  	s6 =	sld [smem:$0x3FA7]  }
0x2c: {  	s7 =	sld [smem:$0x3FA8]  }
0x2d: {  	s3 =	simm.s32 $0x108;
	s8 =	sld [smem:$0x3FA9]  }
0x2e: {  	s3 =	simm.s32 @!p0 $0x1082;
	s9 =	sld [smem:$0x3FAA]  }
0x2f: {  	lr =	sadd.s32 s0, s3;
	s0 =	sld [smem:$0x3FA1]  }
0x30: {  	s3 =	sld [smem:$0x3FA4]  }
0x31: {  	[smem:$0x3FAD] =	sst s10  }
0x32: {  	s10 =	sld [smem:$0x3FAB];
	_ =	sdelay $0x3  }
0x33: {  	p0 =	seq.s32 s10, $0x1;
	s10 =	sld [smem:$0x3FAD];
	_ =	sdelay $0x3  }
0x34: {  	[smem:$0x3FAD] =	sst s10  }
0x35: {  	s10 =	sld [smem:$0x3FAC];
	_ =	sdelay $0x3  }
0x36: {  	p1 =	seq.s32 s10, $0x1;
	s10 =	sld [smem:$0x3FAD];
	_ =	sdelay $0x3  }
0x37: {  	[smem:$0x3FAD] =	sst s10  }
0x38: {  	s10 =	sld [smem:$0x3FAE]  }
0x39: {  	_ = 	snop;
	(pc) =	sbr.ind lr, $3  }
0x3a: {  	_ = 	snop  }
0x3b: {  	_ = 	snop  }
0x3c: {  	p2 =	seq.s32 s10, $0x1;
	s10 =	sld [smem:$0x3FAD]  }
0x3d: {  	_ =	shalt  }
0x3e: {  	_ =	shalt  }
0x3f: {  	_ =	shalt  }
0x40: {  	_ =	shalt  }
0x41: {  	_ =	shalt  }
0x42: {  	_ =	shalt  }
0x43: {  	_ =	shalt  }
0x44: {  	_ =	shalt  }
0x45: {  	_ =	shalt  }
0x46: {  	_ =	shalt  }
0x47: {  	_ =	shalt  }
0x48: {  	_ =	shalt  }
0x49: {  	_ =	shalt  }
0x4a: {  	_ =	shalt  }
0x4b: {  	_ =	shalt  }
0x4c: {  	_ =	shalt  }
0x4d: {  	_ =	shalt  }
0x4e: {  	_ =	shalt  }
0x4f: {  	_ =	shalt  }
0x50: {  	_ =	shalt  }
0x51: {  	_ =	shalt  }
0x52: {  	_ =	shalt  }
0x53: {  	_ =	shalt  }
0x54: {  	_ =	shalt  }
0x55: {  	_ =	shalt  }
0x56: {  	_ =	shalt  }
0x57: {  	_ =	shalt  }
0x58: {  	_ =	shalt  }
0x59: {  	_ =	shalt  }
0x5a: {  	_ =	shalt  }
0x5b: {  	_ =	shalt  }
0x5c: {  	_ =	shalt  }
0x5d: {  	_ =	shalt  }
0x5e: {  	_ =	shalt  }
0x5f: {  	_ =	shalt  }
0x60: {  	_ =	shalt  }
0x61: {  	_ =	shalt  }
0x62: {  	_ =	shalt  }
0x63: {  	_ =	shalt  }
0x64: {  	_ =	shalt  }
0x65: {  	_ =	shalt  }
0x66: {  	_ =	shalt  }
0x67: {  	_ =	shalt  }
0x68: {  	_ =	shalt  }
0x69: {  	_ =	shalt  }
0x6a: {  	_ =	shalt  }
0x6b: {  	_ =	shalt  }
0x6c: {  	_ =	shalt  }
0x6d: {  	_ =	shalt  }
0x6e: {  	_ =	shalt  }
0x6f: {  	_ =	shalt  }
0x70: {  	_ =	shalt  }
0x71: {  	_ =	shalt  }
0x72: {  	_ =	shalt  }
0x73: {  	_ =	shalt  }
0x74: {  	_ =	shalt  }
0x75: {  	_ =	shalt  }
0x76: {  	_ =	shalt  }
0x77: {  	_ =	shalt  }
0x78: {  	_ =	shalt  }
0x79: {  	_ =	shalt  }
0x7a: {  	_ =	shalt  }
0x7b: {  	_ =	shalt  }
0x7c: {  	_ =	shalt  }
0x7d: {  	_ =	shalt  }
0x7e: {  	_ =	shalt  }
0x7f: {  	_ =	shalt  }
0x80: {  	_ =	shalt  }
0x81: {  	_ =	shalt  }
0x82: {  	_ =	shalt  }
0x83: {  	_ =	shalt  }
0x84: {  	_ =	shalt  }
0x85: {  	_ =	shalt  }
0x86: {  	_ =	shalt  }
0x87: {  	_ =	shalt  }
.Lfunc_end0:
.L_simem_size_0:
called_computation_lowered:
.L_overlay_start_0:
0x88: {  	s2 =	sld [smem:$0x3FD9]  }
0x89: {  	s3 =	sld [smem:$0x3FFE];
	_ =	sdelay $0x1  }
0x8a: {  	s1 =	srdreg.scid  }
0x8b: {  	s0 =	sand.u32 $0x1, s1  }
0x8c: {  	s14 =	sshll.u32 s0, $0xA;
	s2 =	sadd.s32 s3, s2  }
0x8d: {  	s2 =	sadd.s32 s2, s14  }
0x8e: {  	[smem:$0x3FB9] =	sst s2  }
0x8f: {  	_ = 	snop  }
0x90: {  	s2 =	sld [smem:$0x3FD0];
	_ =	sdelay $0x2  }
0x91: {  	s15 =	simm.s32 $0xC;
	s4 =	simm.s32 $0x10  }
0x92: {  	[smem:s4], [sflag:s15] =	dma.local [hbm:s2], $0x1  }
0x93: {  	_ =	swait.eq [sflag:s15], $0x1  }
0x94: {  	[sflag:s15] =	ssyncset.done $0x0  }
0x95: {  	[sflag:s15] =	ssyncadd.s32 $0xFFFFFFFF  }
0x96: {  	s16 =	sld [smem:$0x10];
	(tm) =	ssettm $0x1  }
0x97: {  	s17 =	sld [smem:$0x3FFB];
	_ =	sdelay $0x3  }
0x98: {  	_ =	strace s17  }
0x99: {  	s3 =	sld [smem:$0x3FFC];
	_ =	sdelay $0x3  }
0x9a: {  	_ =	strace s3  }
0x9b: {  	s3 =	sld [smem:$0x3FFD];
	_ =	sdelay $0x3  }
0x9c: {  	_ =	strace s3  }
0x9d: {  	_ =	strace $0x8FFFFFFF  }
0x9e: {  	s18 =	sld [smem:$0x3FDB];
	_ =	sdelay $0x1  }
0x9f: {  	s19 =	simm.s32 $_scs_section_size  }
0xa0: {  	s5 =	simm.s32 $_size__tile_overlayer_lowered;
	s6 =	simm.s32 $_tile_overlayer_lowered  }
0xa1: {  	s22 =	simm.s32 $0x1BFF;
	s21 =	sshll.u32 s6, $0x1;
	s3 =	sadd.s32 s19, s18  }
0xa2: {  	s7 =	simm.s32 $0x0;
	s20 =	sshll.u32 s5, $0x1;
	s5 =	sadd.s32 s21, s3  }
0xa3: {  	[timem:s7], [sflag:s22] =	dma.local [hbm:s5], s20  }
0xa4: {  	_ =	swait.ge [sflag:s22], s20  }
0xa5: {  	s4 =	ssub.s32 $0x0, s20;
	[sflag:s22] =	ssyncset.done $0x0  }
0xa6: {  	[sflag:s22] =	ssyncadd.s32 s4;
	_ =	sdelay $0x1  }
0xa7: {  	s23 =	simm.s32 $0x1B8B  }
0xa8: {  	_ =	swait.ge [sflag:s23], $0x1  }
0xa9: {  	[sflag:s23] =	ssyncset.done $0x0  }
0xaa: {  	s25 =	simm.s32 $0x1B8E;
	s24 =	sld [smem:$0x3FFE];
	[sflag:s23] =	ssyncadd.s32 $0xFFFFFFFF  }
0xab: {  	s26 =	simm.s32 $execute0_lowered;
	[smem:$0x3FD2] =	sst s25  }
0xac: {  	s5 =	sshll.u32 s26, $0x1;
	_ =	strace $0x80000046;
	[dreg:$0x1] =	wrdreg $0xFFFFFFFF  }
0xad: {  	s28 =	simm.s32 $_size_execute0_lowered;
	s3 =	sadd.s32 s3, s5;
	[dreg:$0x0] =	wrdreg $0x0  }
0xae: {  	s5 =	sshll.u32 s28, $0x1;
	[dreg:$0x2] =	wrdreg s3  }
0xaf: {  	[dreg:$0x3] =	wrdreg s5  }
0xb0: {  	[dreg:$0x4] =	wrdreg $0xC0  }
0xb1: {  	_ =	task [dreg:s7], $0x5FFFF  }
0xb2: {  	[dreg:$0x1] =	wrdreg $0xFFFFFFFF  }
0xb3: {  	[dreg:$0x0] =	wrdreg $0x60  }
0xb4: {  	[dreg:$0x2] =	wrdreg s24  }
0xb5: {  	[dreg:$0x3] =	wrdreg s16  }
0xb6: {  	[dreg:$0x4] =	wrdreg $0xA  }
0xb7: {  	_ =	task.clear_ibuf [dreg:s7], $0x5FFFF;
	_ =	strace $0x90000046  }
0xb8: {  	s29 =	simm.s32 $0xA;
	_ =	strace $0x80000048  }
0xb9: {  	_ =	swait.ge [sflag:s29], $0x1  }
0xba: {  	[sflag:s29] =	ssyncadd.s32 $0xFFFFFFFF  }
0xbb: {  	_ =	strace $0x90000048  }
0xbc: {  	_ =	sfence  }
0xbd: {  	s30 =	sld [smem:$0x0];
	_ =	sdelay $0x2  }
0xbe: {  	s31 =	sshll.u32 s1, $0xD;
	s1 =	sshrl.u32 s1, $0x2  }
0xbf: {  	s3 =	sand.u32 $0x4000, s31;
	s1 =	sadd.s32 s1, s30  }
0xc0: {  	s0 =	sor.u32 s3, s0;
	s1 =	sshll.u32 s1, $0x11  }
0xc1: {  	s0 =	sor.u32 s1, s0  }
0xc2: {  	s0 =	sadd.s32 $0x8F2B, s0  }
0xc3: {  	[sflag:s0] =	ssyncadd.remote.s32 $0x1  }
0xc4: {  	_ =	sfence.sel $0xFFFF  }
0xc5: {  	[dreg:$0x0] =	wrdreg $0xFFFFFFFF;
	(pc) =	sbr.abs _section_cstart, $3  }
0xc6: {  	[dreg:$0x1] =	wrdreg $0xFFFFFFFF  }
0xc7: {  	_ =	task.clear_ibuf [dreg:s7], $0x2FFFF;
	_ =	strace $0x9FFFFFFF  }
0xc8: {  	(tm) =	ssettm $0x7FFFFFFF  }
0xc9: {  	_ =	shalt  }
tec
execute0_lowered:
.L_overlay_start_1:
0x0: {  	(tag) =	ssettag $0x1  }
0x1: {  	s4 =	rddreg [dreg:$0x0]  }
0x2: {  	s6 =	rddreg [dreg:$0x1]  }
0x3: {  	s0 =	rddreg [dreg:$0x2];
	s2 =	simm.s32 $0x0;
	s1 =	stileid.u32  }
0x4: {  	s3 =	srdreg.scid;
	[smem:$0x7FF] =	sst s2  }
0x5: {  	s5 =	sshll.u32 s1, $0x11;
	s7 =	sand.u32 $0x1, s3;
	s3 =	sadd.s32 $0x3600, s4  }
0x6: {  	s9 =	sshll.u32 s1, $0xD;
	_ =	strace $0x80000047;
	s5 =	sadd.s32 s5, s4  }
0x7: {  	s29 =	ssub.s32 $0x2, s7;
	s10 =	sshll.u32 s7, $0xC;
	s7 =	sshll.u32 s7, $0x10  }
0x8: {  	s8 =	sshrl.u32 s29, $0x1;
	s30 =	sor.u32 s10, s9;
	s5 =	sadd.s32 s7, s5  }
0x9: {  	s7 =	simm.s32 $0x2;
	s9 =	simm.s32 $0x1;
	s10 =	simm.s32 $0x0  }
0xa: {  	s4 =	ssub.s32 s29, s8;
	s31 =	sshrl.u32 s30, $0x3;
	s5 =	sadd.s32 $0x43600, s5  }
0xb: {  	s8 =	simm.s32 $0x80;
	s4 =	smax.u32 s4, $0x1;
	s6 =	sadd.s32 s31, s6  }
.LBB2_1:
0xc: {  	s11 =	sadd.s32 $0x0, s6  }
0xd: {  	[tilespmem:s2], [sflag:$0x2] =	stream.linear.gather [hbm4b:s11+s2], $0x80, $0x38;
	[tilespmem:$0x4080] =	vst v63  }
0xe: {  	_ =	swait.ge [sflag:s7], $0x80  }
0xf: {  	[sflag:s7] =	ssyncset.done $0x0  }
0x10: {  	[sflag:s7] =	ssyncadd.s32 $0xFFFFFF80  }
0x11: {  	[tilespmem:s8], [sflag:$0x1] =	stream.indirect.gather [hbm4b:s3+s8], $0x80, s2, s8, $0xb8;
	[tilespmem:$0x4080] =	vst v63  }
0x12: {  	_ =	swait.ge [sflag:s9], $0x4000  }
0x13: {  	[sflag:s9] =	ssyncset.done $0x0  }
0x14: {  	[sflag:s9] =	ssyncadd.s32 $0xFFFFC000  }
0x15: {  	[hbm4b:s5+s2] =	stream.linear.scatter [tilespmem:s8], [sflag:$0x2], $0x4000, $0x38;
	[tilespmem:$0x4080] =	vst v63  }
0x16: {  	s12 =	simm.s32 $0x10;
	_ =	swait.ge [sflag:s7], $0x4000  }
0x17: {  	s13 =	simm.s32 $0x20;
	s11 =	sadd.s32 $0x800, s5;
	[sflag:s7] =	ssyncset.done $0x0  }
.LBB2_2:
0x18: {  	s14 =	sadd.s32 s12, s6  }
0x19: {  	[sflag:s7] =	ssyncadd.s32 $0xFFFFC000;
	s12 =	smov.u32 s13;
	s15 =	sadd.s32 $0x10, s13  }
0x1a: {  	[tilespmem:s2], [sflag:$0x2] =	stream.linear.gather [hbm4b:s14+s2], $0x80, $0x38;
	[tilespmem:$0x4080] =	vst v63  }
0x1b: {  	p0 =	sne.s32 s13, $0x1F0;
	_ =	swait.ge [sflag:s7], $0x80  }
0x1c: {  	[sflag:s7] =	ssyncset.done $0x0  }
0x1d: {  	[sflag:s7] =	ssyncadd.s32 $0xFFFFFF80  }
0x1e: {  	[tilespmem:s8], [sflag:$0x1] =	stream.indirect.gather [hbm4b:s3+s8], $0x80, s2, s8, $0xb8;
	[tilespmem:$0x4080] =	vst v63  }
0x1f: {  	_ =	swait.ge [sflag:s9], $0x4000  }
.Ltmp0:
0x20: {  	[sflag:s9] =	ssyncset.done $0x0;
	(pc) =	sbr.rel @p0 .LBB2_2-.Ltmp0, $4  }
0x21: {  	[sflag:s9] =	ssyncadd.s32 $0xFFFFC000  }
0x22: {  	[hbm4b:s11+s2] =	stream.linear.scatter [tilespmem:s8], [sflag:$0x2], $0x4000, $0x38;
	[tilespmem:$0x4080] =	vst v63  }
0x23: {  	_ =	swait.ge [sflag:s7], $0x4000  }
0x24: {  	s13 =	smov.u32 s15;
	s11 =	sadd.s32 $0x800, s11;
	[sflag:s7] =	ssyncset.done $0x0  }
0x25: {  	s12 =	sadd.s32 s12, s6;
	[sflag:s7] =	ssyncadd.s32 $0xFFFFC000  }
0x26: {  	[tilespmem:s2], [sflag:$0x2] =	stream.linear.gather [hbm4b:s12+s2], $0x80, $0x38;
	[tilespmem:$0x4080] =	vst v63  }
0x27: {  	_ =	swait.ge [sflag:s7], $0x80  }
0x28: {  	[sflag:s7] =	ssyncset.done $0x0  }
0x29: {  	[sflag:s7] =	ssyncadd.s32 $0xFFFFFF80  }
0x2a: {  	[tilespmem:s8], [sflag:$0x1] =	stream.indirect.gather [hbm4b:s3+s8], $0x80, s2, s8, $0xb8;
	[tilespmem:$0x4080] =	vst v63  }
0x2b: {  	s10 =	sadd.s32 $0x1, s10;
	_ =	swait.ge [sflag:s9], $0x4000  }
0x2c: {  	p0 =	sne.s32 s10, s4;
	[sflag:s9] =	ssyncset.done $0x0  }
.Ltmp1:
0x2d: {  	[sflag:s9] =	ssyncadd.s32 $0xFFFFC000;
	(pc) =	sbr.rel @p0 .LBB2_1-.Ltmp1, $4  }
0x2e: {  	[hbm4b:s11+s2] =	stream.linear.scatter [tilespmem:s8], [sflag:$0x2], $0x4000, $0x38;
	[tilespmem:$0x4080] =	vst v63  }
0x2f: {  	_ =	swait.ge [sflag:s7], $0x4000  }
0x30: {  	[sflag:s7] =	ssyncset.done $0x0  }
0x31: {  	[sflag:s7] =	ssyncadd.s32 $0xFFFFC000  }
0x32: {  	_ =	sfence.sel $0x180000  }
0x33: {  	[bflag:$0x0] =	sbarrier.arrive $0xFFFF  }
0x34: {  	p0 =	sne.s32 s1, $0x0;
	_ =	strace $0x90000047  }
0x35: {  	s0 =	sadd.s32 @!p0 $0x100000, s0;
	[bflag:$0x2] =	sbarrier.arrive $0xFFFF  }
0x36: {  	[sflag:s0] =	ssyncadd.tile.s32 @!p0 $0x1;
	_ =	shalt  }
.Lfunc_end2:
_tile_overlayer_lowered:
.L_overlay_start_2:
0x37: {  	(tag) =	ssettag $0x2  }
0x38: {  	s0 =	rddreg [dreg:$0x0];
	s2 =	stileid.u32  }
0x39: {  	s1 =	rddreg [dreg:$0x1];
	p0 =	sne.s32 s2, $0x0  }
0x3a: {  	s3 =	rddreg [dreg:$0x2];
	[bflag:$0x3] =	sbarrier.arrive $0xFFFF;
	s2 =	simm.s32 @!p0 $0x1C02  }
0x3b: {  	[timem:s3], [sflag:s2] =	dma.local @!p0 [hbm:s0], s1  }
0x3c: {  	s0 =	simm.s32 @!p0 $0x2  }
0x3d: {  	_ =	swait.ge @!p0 [sflag:s0], s1  }
0x3e: {  	s1 =	ssub.s32 @!p0 $0x0, s1;
	[sflag:s0] =	ssyncset.done @!p0 $0x0  }
0x3f: {  	[sflag:s0] =	ssyncadd.s32 @!p0 s1  }
0x40: {  	[bflag:$0x3] =	sbarrier.arrive $0xFFFF  }
0x41: {  	_ =	shalt  }

// kernel: kernel.16.cloned.1.call-start
scs
__scs_entry_jumppad:
0x0: {  	(pc) =	sbr.rel $0x88, $3  }
0x1: {  	(tag) =	ssettag $0x0;
	lr =	simm.s32 $0x1  }
0x2: {  	[smem:$0x3F92] =	sst lr;
	_ =	strace $0xD0000000  }
0x3: {  	_ = 	snop  }
0x4: {  	_ = 	snop  }
0x5: {  	_ = 	snop  }
0x6: {  	_ = 	snop  }
0x7: {  	_ = 	snop  }
__scs_overlays_trampoline_lowered:
0x8: {  	[smem:$0x3FA1] =	sst s0  }
0x9: {  	[smem:$0x3FA2] =	sst s1  }
0xa: {  	[smem:$0x3FA3] =	sst s2  }
0xb: {  	[smem:$0x3FA4] =	sst s3  }
0xc: {  	[smem:$0x3FA5] =	sst s4  }
0xd: {  	[smem:$0x3FA6] =	sst s5  }
0xe: {  	[smem:$0x3FA7] =	sst s6  }
0xf: {  	[smem:$0x3FA8] =	sst s7  }
0x10: {  	[smem:$0x3FA9] =	sst s8  }
0x11: {  	[smem:$0x3FAA] =	sst s9;
	s0 =	simm.s32 @!p0 $0x0  }
0x12: {  	s1 =	sld [smem:$0x3F90];
	s0 =	simm.s32 @p0 $0x1  }
0x13: {  	[smem:$0x3FAB] =	sst s0;
	s0 =	simm.s32 @!p1 $0x0  }
0x14: {  	s2 =	sld [smem:$0x3F8F];
	s0 =	simm.s32 @p1 $0x1  }
0x15: {  	[smem:$0x3FAC] =	sst s0;
	s0 =	simm.s32 @!p2 $0x0  }
0x16: {  	s3 =	sld [smem:$0x3FDB];
	s0 =	simm.s32 @p2 $0x1  }
0x17: {  	s4 =	simm.s32 $0x1BF5;
	[smem:$0x3FAE] =	sst s0  }
0x18: {  	s0 =	sld [smem:$0x3F91];
	_ =	swait.ge [sflag:s4], $0x0  }
0x19: {  	s7 =	sld [smem:$0x3F92]  }
0x1a: {  	s8 =	sadd.s32 $0xFFFFE003, lr  }
0x1b: {  	s9 =	sadd.s32 $0xFFFFFEF7, lr;
	s5 =	simm.s32 $0xFFFFFFFF;
	p2 =	slt.u32 s8, $0xFFFFF086  }
0x1c: {  	p1 =	slt.u32 s9, $0xF7A;
	s5 =	simm.s32 @!p2 $0x0  }
0x1d: {  	s5 =	simm.s32 @p1 $0x1;
	p0 =	seq.s32 s7, s2  }
0x1e: {  	s7 =	smul.u32 @!p0 $0xF7A, s2;
	p2 =	seq.s32 @!p0 s5, $0x0  }
0x1f: {  	s9 =	smul.u32 $0xF7A, s1;
	s8 =	simm.s32 @!p0 $0x1BF5;
	p2 =	por !p2, p0  }
0x20: {  	[sflag:s8] =	ssyncset.s32 @!p0 $0xFFFFF086;
	s6 =	sadd.s32 @!p0 s3, s7;
	s7 =	simm.s32 @!p0 $0x108  }
0x21: {  	s3 =	sadd.s32 s3, s9;
	s6 =	sadd.s32 @!p0 $0x88, s6;
	s7 =	simm.s32 @p2 $0x1082  }
0x22: {  	[simem:s7], [sflag:s8] =	dma.local @!p0 [hbm:s6], $0xF7A  }
0x23: {  	s9 =	sor.u32 $0xD0000000, s2;
	s6 =	simm.s32 $0x108;
	_ =	swait.ge @!p0 [sflag:s8], $0x0  }
0x24: {  	s3 =	sadd.s32 $0x88, s3;
	s6 =	simm.s32 @!p1 $0x1082;
	[sflag:s4] =	ssyncset.s32 $0xFFFFF086  }
0x25: {  	[simem:s6], [sflag:s4] =	dma.local [hbm:s3], $0xF7A  }
0x26: {  	[smem:$0x3F92] =	sst s1;
	(tag) =	ssettag s2;
	_ =	strace s9  }
0x27: {  	s1 =	sld [smem:$0x3FA2]  }
0x28: {  	s2 =	sld [smem:$0x3FA3]  }
0x29: {  	s4 =	sld [smem:$0x3FA5]  }
0x2a: {  	p0 =	seq.s32 s5, $0x0;
	s5 =	sld [smem:$0x3FA6]  }
0x2b: {  	s6 =	sld [smem:$0x3FA7]  }
0x2c: {  	s7 =	sld [smem:$0x3FA8]  }
0x2d: {  	s3 =	simm.s32 $0x108;
	s8 =	sld [smem:$0x3FA9]  }
0x2e: {  	s3 =	simm.s32 @!p0 $0x1082;
	s9 =	sld [smem:$0x3FAA]  }
0x2f: {  	lr =	sadd.s32 s0, s3;
	s0 =	sld [smem:$0x3FA1]  }
0x30: {  	s3 =	sld [smem:$0x3FA4]  }
0x31: {  	[smem:$0x3FAD] =	sst s10  }
0x32: {  	s10 =	sld [smem:$0x3FAB];
	_ =	sdelay $0x3  }
0x33: {  	p0 =	seq.s32 s10, $0x1;
	s10 =	sld [smem:$0x3FAD];
	_ =	sdelay $0x3  }
0x34: {  	[smem:$0x3FAD] =	sst s10  }
0x35: {  	s10 =	sld [smem:$0x3FAC];
	_ =	sdelay $0x3  }
0x36: {  	p1 =	seq.s32 s10, $0x1;
	s10 =	sld [smem:$0x3FAD];
	_ =	sdelay $0x3  }
0x37: {  	[smem:$0x3FAD] =	sst s10  }
0x38: {  	s10 =	sld [smem:$0x3FAE]  }
0x39: {  	_ = 	snop;
	(pc) =	sbr.ind lr, $3  }
0x3a: {  	_ = 	snop  }
0x3b: {  	_ = 	snop  }
0x3c: {  	p2 =	seq.s32 s10, $0x1;
	s10 =	sld [smem:$0x3FAD]  }
0x3d: {  	_ =	shalt  }
0x3e: {  	_ =	shalt  }
0x3f: {  	_ =	shalt  }
0x40: {  	_ =	shalt  }
0x41: {  	_ =	shalt  }
0x42: {  	_ =	shalt  }
0x43: {  	_ =	shalt  }
0x44: {  	_ =	shalt  }
0x45: {  	_ =	shalt  }
0x46: {  	_ =	shalt  }
0x47: {  	_ =	shalt  }
0x48: {  	_ =	shalt  }
0x49: {  	_ =	shalt  }
0x4a: {  	_ =	shalt  }
0x4b: {  	_ =	shalt  }
0x4c: {  	_ =	shalt  }
0x4d: {  	_ =	shalt  }
0x4e: {  	_ =	shalt  }
0x4f: {  	_ =	shalt  }
0x50: {  	_ =	shalt  }
0x51: {  	_ =	shalt  }
0x52: {  	_ =	shalt  }
0x53: {  	_ =	shalt  }
0x54: {  	_ =	shalt  }
0x55: {  	_ =	shalt  }
0x56: {  	_ =	shalt  }
0x57: {  	_ =	shalt  }
0x58: {  	_ =	shalt  }
0x59: {  	_ =	shalt  }
0x5a: {  	_ =	shalt  }
0x5b: {  	_ =	shalt  }
0x5c: {  	_ =	shalt  }
0x5d: {  	_ =	shalt  }
0x5e: {  	_ =	shalt  }
0x5f: {  	_ =	shalt  }
0x60: {  	_ =	shalt  }
0x61: {  	_ =	shalt  }
0x62: {  	_ =	shalt  }
0x63: {  	_ =	shalt  }
0x64: {  	_ =	shalt  }
0x65: {  	_ =	shalt  }
0x66: {  	_ =	shalt  }
0x67: {  	_ =	shalt  }
0x68: {  	_ =	shalt  }
0x69: {  	_ =	shalt  }
0x6a: {  	_ =	shalt  }
0x6b: {  	_ =	shalt  }
0x6c: {  	_ =	shalt  }
0x6d: {  	_ =	shalt  }
0x6e: {  	_ =	shalt  }
0x6f: {  	_ =	shalt  }
0x70: {  	_ =	shalt  }
0x71: {  	_ =	shalt  }
0x72: {  	_ =	shalt  }
0x73: {  	_ =	shalt  }
0x74: {  	_ =	shalt  }
0x75: {  	_ =	shalt  }
0x76: {  	_ =	shalt  }
0x77: {  	_ =	shalt  }
0x78: {  	_ =	shalt  }
0x79: {  	_ =	shalt  }
0x7a: {  	_ =	shalt  }
0x7b: {  	_ =	shalt  }
0x7c: {  	_ =	shalt  }
0x7d: {  	_ =	shalt  }
0x7e: {  	_ =	shalt  }
0x7f: {  	_ =	shalt  }
0x80: {  	_ =	shalt  }
0x81: {  	_ =	shalt  }
0x82: {  	_ =	shalt  }
0x83: {  	_ =	shalt  }
0x84: {  	_ =	shalt  }
0x85: {  	_ =	shalt  }
0x86: {  	_ =	shalt  }
0x87: {  	_ =	shalt  }
.Lfunc_end0:
.L_simem_size_0:
called_computation.1_lowered:
.L_overlay_start_0:
0x88: {  	s2 =	sld [smem:$0x3FD9]  }
0x89: {  	s3 =	sld [smem:$0x3FFE];
	_ =	sdelay $0x1  }
0x8a: {  	s1 =	srdreg.scid  }
0x8b: {  	s0 =	sand.u32 $0x1, s1  }
0x8c: {  	s17 =	sshll.u32 s0, $0xA;
	s2 =	sadd.s32 s3, s2  }
0x8d: {  	s2 =	sadd.s32 s2, s17  }
0x8e: {  	[smem:$0x3FB9] =	sst s2  }
0x8f: {  	_ = 	snop  }
0x90: {  	(tm) =	ssettm $0x1  }
0x91: {  	s18 =	sld [smem:$0x3FFB];
	_ =	sdelay $0x3  }
0x92: {  	_ =	strace s18  }
0x93: {  	s2 =	sld [smem:$0x3FFC];
	_ =	sdelay $0x3  }
0x94: {  	_ =	strace s2  }
0x95: {  	s2 =	sld [smem:$0x3FFD];
	_ =	sdelay $0x3  }
0x96: {  	_ =	strace s2  }
0x97: {  	_ =	strace $0x8FFFFFFF  }
0x98: {  	s19 =	sld [smem:$0x3FDB];
	_ =	sdelay $0x1  }
0x99: {  	s20 =	simm.s32 $_scs_section_size  }
0x9a: {  	s4 =	simm.s32 $_size__tile_overlayer_lowered;
	s5 =	simm.s32 $_tile_overlayer_lowered  }
0x9b: {  	s6 =	simm.s32 $0x1BFF;
	s21 =	sshll.u32 s5, $0x1;
	s3 =	sadd.s32 s20, s19  }
0x9c: {  	s22 =	simm.s32 $0x0;
	s4 =	sshll.u32 s4, $0x1;
	s5 =	sadd.s32 s21, s3  }
0x9d: {  	[timem:s22], [sflag:s6] =	dma.local [hbm:s5], s4  }
0x9e: {  	_ =	swait.ge [sflag:s6], s4  }
0x9f: {  	s4 =	ssub.s32 $0x0, s4;
	[sflag:s6] =	ssyncset.done $0x0  }
0xa0: {  	[sflag:s6] =	ssyncadd.s32 s4;
	_ =	sdelay $0x1  }
0xa1: {  	s23 =	simm.s32 $0x1B8B  }
0xa2: {  	_ =	swait.ge [sflag:s23], $0x1  }
0xa3: {  	[sflag:s23] =	ssyncset.done $0x0  }
0xa4: {  	[sflag:s23] =	ssyncadd.s32 $0xFFFFFFFF  }
0xa5: {  	s4 =	sld [smem:$0x0]  }
0xa6: {  	s5 =	sand.u32 $0xFFFFFFFE, s1  }
0xa7: {  	p0 =	sne.s32 s1, s5  }
0xa8: {  	s5 =	sshll.u32 @p0 s5, $0xE  }
0xa9: {  	s5 =	sadd.s32 @p0 $0x11B8D, s5;
	s6 =	sshll.u32 @p0 s4, $0x11  }
0xaa: {  	s5 =	sor.u32 @p0 s6, s5  }
0xab: {  	[sflag:s5] =	ssyncadd.remote.s32 @p0 $0x1;
	_ =	sdelay $0x1  }
0xac: {  	s5 =	simm.s32 @p0 $0x1B8D  }
0xad: {  	_ =	swait.eq @p0 [sflag:s5], $0x1  }
0xae: {  	[sflag:s5] =	ssyncadd.s32 @p0 $0xFFFFFFFF  }
0xaf: {  	s6 =	sshll.u32 @!p0 s1, $0xE  }
0xb0: {  	s6 =	sor.u32 @!p0 $0x4000, s6;
	s5 =	simm.s32 @!p0 $0x1B8D  }
0xb1: {  	s4 =	sshll.u32 @!p0 s4, $0x11;
	s6 =	sadd.s32 @!p0 $0x11B8D, s6;
	_ =	swait.eq @!p0 [sflag:s5], $0x1  }
0xb2: {  	s4 =	sor.u32 @!p0 s4, s6;
	[sflag:s5] =	ssyncadd.s32 @!p0 $0xFFFFFFFF  }
0xb3: {  	s25 =	simm.s32 $0x1B8E;
	s24 =	sld [smem:$0x3FFE];
	[sflag:s4] =	ssyncadd.remote.s32 @!p0 $0x1  }
0xb4: {  	s26 =	simm.s32 $execute0_lowered;
	[smem:$0x3FD2] =	sst s25  }
0xb5: {  	s5 =	sshll.u32 s26, $0x1;
	_ =	strace $0x80000049;
	[dreg:$0x1] =	wrdreg $0xFFFFFFFF  }
0xb6: {  	s28 =	simm.s32 $_size_execute0_lowered;
	s3 =	sadd.s32 s3, s5;
	[dreg:$0x0] =	wrdreg $0x0  }
0xb7: {  	s5 =	sshll.u32 s28, $0x1;
	[dreg:$0x2] =	wrdreg s3  }
0xb8: {  	[dreg:$0x3] =	wrdreg s5  }
0xb9: {  	[dreg:$0x4] =	wrdreg $0xC0  }
0xba: {  	_ =	task [dreg:s22], $0x5FFFF  }
0xbb: {  	[dreg:$0x1] =	wrdreg $0xFFFFFFFF  }
0xbc: {  	[dreg:$0x0] =	wrdreg $0x60  }
0xbd: {  	[dreg:$0x2] =	wrdreg s24  }
0xbe: {  	[dreg:$0x3] =	wrdreg $0xB  }
0xbf: {  	_ =	task.clear_ibuf [dreg:s22], $0x4FFFF;
	_ =	strace $0x90000049  }
0xc0: {  	s29 =	simm.s32 $0xB;
	_ =	strace $0x8000004B  }
0xc1: {  	_ =	swait.ge [sflag:s29], $0x1  }
0xc2: {  	[sflag:s29] =	ssyncadd.s32 $0xFFFFFFFF  }
0xc3: {  	_ =	strace $0x9000004B  }
0xc4: {  	_ =	sfence  }
0xc5: {  	s30 =	sld [smem:$0x0];
	_ =	sdelay $0x2  }
0xc6: {  	s31 =	sshll.u32 s1, $0xD;
	s1 =	sshrl.u32 s1, $0x2  }
0xc7: {  	s4 =	sand.u32 $0x4000, s31;
	s1 =	sadd.s32 s1, s30  }
0xc8: {  	s0 =	sor.u32 s4, s0;
	s1 =	sshll.u32 s1, $0x11  }
0xc9: {  	s0 =	sor.u32 s1, s0  }
0xca: {  	s0 =	sadd.s32 $0x8F2B, s0  }
0xcb: {  	[sflag:s0] =	ssyncadd.remote.s32 $0x1  }
0xcc: {  	_ =	sfence.sel $0xFFFF  }
0xcd: {  	[dreg:$0x0] =	wrdreg $0xFFFFFFFF;
	(pc) =	sbr.abs _section_cstart, $3  }
0xce: {  	[dreg:$0x1] =	wrdreg $0xFFFFFFFF  }
0xcf: {  	_ =	task.clear_ibuf [dreg:s22], $0x2FFFF;
	_ =	strace $0x9FFFFFFF  }
0xd0: {  	(tm) =	ssettm $0x7FFFFFFF  }
0xd1: {  	_ =	shalt  }
tec
execute0_lowered:
.L_overlay_start_1:
0x0: {  	(tag) =	ssettag $0x1  }
0x1: {  	s4 =	rddreg [dreg:$0x0]  }
0x2: {  	s0 =	rddreg [dreg:$0x1];
	s2 =	simm.s32 $0x0;
	s3 =	srdreg.scid  }
0x3: {  	s1 =	stileid.u32;
	s10 =	simm.s32 $0x0;
	[smem:$0x7FF] =	sst s2  }
0x4: {  	s5 =	sand.u32 $0x1, s3;
	s6 =	sshll.u32 s1, $0xD;
	s3 =	sadd.s32 $0x23600, s4  }
0x5: {  	s8 =	sshll.u32 s1, $0x11;
	_ =	strace $0x8000004A;
	s7 =	sshll.u32 s5, $0xC  }
0x6: {  	s31 =	ssub.s32 $0x2, s5;
	s8 =	sadd.s32 s8, s4;
	s5 =	sshll.u32 s5, $0x10  }
0x7: {  	s6 =	sor.u32 s7, s6;
	s9 =	sshrl.u32 s31, $0x1;
	s5 =	sadd.s32 s5, s8  }
0x8: {  	s8 =	simm.s32 $0x80;
	s6 =	sshrl.u32 s6, $0x3;
	s7 =	ssub.s32 s31, s9  }
0x9: {  	s5 =	sadd.s32 $0x247600, s5;
	s9 =	simm.s32 $0x1;
	s6 =	sadd.s32 s6, s4  }
0xa: {  	s4 =	smax.u32 s7, $0x1;
	s7 =	simm.s32 $0x2;
	s6 =	sadd.s32 $0x243600, s6  }
.LBB2_1:
0xb: {  	s11 =	sadd.s32 $0x0, s6  }
0xc: {  	[tilespmem:s2], [sflag:$0x2] =	stream.linear.gather [hbm4b:s11+s2], $0x80, $0x38;
	[tilespmem:$0x4080] =	vst v63  }
0xd: {  	_ =	swait.ge [sflag:s7], $0x80  }
0xe: {  	[sflag:s7] =	ssyncset.done $0x0  }
0xf: {  	[sflag:s7] =	ssyncadd.s32 $0xFFFFFF80  }
0x10: {  	[tilespmem:s8], [sflag:$0x1] =	stream.indirect.gather [hbm4b:s3+s8], $0x80, s2, s8, $0xb8;
	[tilespmem:$0x4080] =	vst v63  }
0x11: {  	_ =	swait.ge [sflag:s9], $0x4000  }
0x12: {  	[sflag:s9] =	ssyncset.done $0x0  }
0x13: {  	[sflag:s9] =	ssyncadd.s32 $0xFFFFC000  }
0x14: {  	[hbm4b:s5+s2] =	stream.linear.scatter [tilespmem:s8], [sflag:$0x2], $0x4000, $0x38;
	[tilespmem:$0x4080] =	vst v63  }
0x15: {  	s12 =	simm.s32 $0x10;
	_ =	swait.ge [sflag:s7], $0x4000  }
0x16: {  	s13 =	simm.s32 $0x20;
	s11 =	sadd.s32 $0x800, s5;
	[sflag:s7] =	ssyncset.done $0x0  }
.LBB2_2:
0x17: {  	s14 =	sadd.s32 s12, s6  }
0x18: {  	[sflag:s7] =	ssyncadd.s32 $0xFFFFC000;
	s12 =	smov.u32 s13;
	s15 =	sadd.s32 $0x10, s13  }
0x19: {  	[tilespmem:s2], [sflag:$0x2] =	stream.linear.gather [hbm4b:s14+s2], $0x80, $0x38;
	[tilespmem:$0x4080] =	vst v63  }
0x1a: {  	p0 =	sne.s32 s13, $0x1F0;
	_ =	swait.ge [sflag:s7], $0x80  }
0x1b: {  	[sflag:s7] =	ssyncset.done $0x0  }
0x1c: {  	[sflag:s7] =	ssyncadd.s32 $0xFFFFFF80  }
0x1d: {  	[tilespmem:s8], [sflag:$0x1] =	stream.indirect.gather [hbm4b:s3+s8], $0x80, s2, s8, $0xb8;
	[tilespmem:$0x4080] =	vst v63  }
0x1e: {  	_ =	swait.ge [sflag:s9], $0x4000  }
.Ltmp0:
0x1f: {  	[sflag:s9] =	ssyncset.done $0x0;
	(pc) =	sbr.rel @p0 .LBB2_2-.Ltmp0, $4  }
0x20: {  	[sflag:s9] =	ssyncadd.s32 $0xFFFFC000  }
0x21: {  	[hbm4b:s11+s2] =	stream.linear.scatter [tilespmem:s8], [sflag:$0x2], $0x4000, $0x38;
	[tilespmem:$0x4080] =	vst v63  }
0x22: {  	_ =	swait.ge [sflag:s7], $0x4000  }
0x23: {  	s13 =	smov.u32 s15;
	s11 =	sadd.s32 $0x800, s11;
	[sflag:s7] =	ssyncset.done $0x0  }
0x24: {  	s12 =	sadd.s32 s12, s6;
	[sflag:s7] =	ssyncadd.s32 $0xFFFFC000  }
0x25: {  	[tilespmem:s2], [sflag:$0x2] =	stream.linear.gather [hbm4b:s12+s2], $0x80, $0x38;
	[tilespmem:$0x4080] =	vst v63  }
0x26: {  	_ =	swait.ge [sflag:s7], $0x80  }
0x27: {  	[sflag:s7] =	ssyncset.done $0x0  }
0x28: {  	[sflag:s7] =	ssyncadd.s32 $0xFFFFFF80  }
0x29: {  	[tilespmem:s8], [sflag:$0x1] =	stream.indirect.gather [hbm4b:s3+s8], $0x80, s2, s8, $0xb8;
	[tilespmem:$0x4080] =	vst v63  }
0x2a: {  	s10 =	sadd.s32 $0x1, s10;
	_ =	swait.ge [sflag:s9], $0x4000  }
0x2b: {  	p0 =	sne.s32 s10, s4;
	[sflag:s9] =	ssyncset.done $0x0  }
.Ltmp1:
0x2c: {  	[sflag:s9] =	ssyncadd.s32 $0xFFFFC000;
	(pc) =	sbr.rel @p0 .LBB2_1-.Ltmp1, $4  }
0x2d: {  	[hbm4b:s11+s2] =	stream.linear.scatter [tilespmem:s8], [sflag:$0x2], $0x4000, $0x38;
	[tilespmem:$0x4080] =	vst v63  }
0x2e: {  	_ =	swait.ge [sflag:s7], $0x4000  }
0x2f: {  	[sflag:s7] =	ssyncset.done $0x0  }
0x30: {  	[sflag:s7] =	ssyncadd.s32 $0xFFFFC000  }
0x31: {  	_ =	sfence.sel $0x180000  }
0x32: {  	[bflag:$0x0] =	sbarrier.arrive $0xFFFF  }
0x33: {  	p0 =	sne.s32 s1, $0x0;
	_ =	strace $0x9000004A  }
0x34: {  	s0 =	sadd.s32 @!p0 $0x100000, s0;
	[bflag:$0x2] =	sbarrier.arrive $0xFFFF  }
0x35: {  	[sflag:s0] =	ssyncadd.tile.s32 @!p0 $0x1;
	_ =	shalt  }
.Lfunc_end2:
_tile_overlayer_lowered:
.L_overlay_start_2:
0x36: {  	(tag) =	ssettag $0x2  }
0x37: {  	s0 =	rddreg [dreg:$0x0];
	s2 =	stileid.u32  }
0x38: {  	s1 =	rddreg [dreg:$0x1];
	p0 =	sne.s32 s2, $0x0  }
0x39: {  	s3 =	rddreg [dreg:$0x2];
	[bflag:$0x3] =	sbarrier.arrive $0xFFFF;
	s2 =	simm.s32 @!p0 $0x1C02  }
0x3a: {  	[timem:s3], [sflag:s2] =	dma.local @!p0 [hbm:s0], s1  }
0x3b: {  	s0 =	simm.s32 @!p0 $0x2  }
0x3c: {  	_ =	swait.ge @!p0 [sflag:s0], s1  }
0x3d: {  	s1 =	ssub.s32 @!p0 $0x0, s1;
	[sflag:s0] =	ssyncset.done @!p0 $0x0  }
0x3e: {  	[sflag:s0] =	ssyncadd.s32 @!p0 s1  }
0x3f: {  	[bflag:$0x3] =	sbarrier.arrive $0xFFFF  }
0x40: {  	_ =	shalt  }

// kernel: kernel.19.cloned.1.call-start
scs
__scs_entry_jumppad:
0x0: {  	(pc) =	sbr.rel $0x88, $3  }
0x1: {  	(tag) =	ssettag $0x0;
	lr =	simm.s32 $0x1  }
0x2: {  	[smem:$0x3F92] =	sst lr;
	_ =	strace $0xD0000000  }
0x3: {  	_ = 	snop  }
0x4: {  	_ = 	snop  }
0x5: {  	_ = 	snop  }
0x6: {  	_ = 	snop  }
0x7: {  	_ = 	snop  }
__scs_overlays_trampoline_lowered:
0x8: {  	[smem:$0x3FA1] =	sst s0  }
0x9: {  	[smem:$0x3FA2] =	sst s1  }
0xa: {  	[smem:$0x3FA3] =	sst s2  }
0xb: {  	[smem:$0x3FA4] =	sst s3  }
0xc: {  	[smem:$0x3FA5] =	sst s4  }
0xd: {  	[smem:$0x3FA6] =	sst s5  }
0xe: {  	[smem:$0x3FA7] =	sst s6  }
0xf: {  	[smem:$0x3FA8] =	sst s7  }
0x10: {  	[smem:$0x3FA9] =	sst s8  }
0x11: {  	[smem:$0x3FAA] =	sst s9;
	s0 =	simm.s32 @!p0 $0x0  }
0x12: {  	s1 =	sld [smem:$0x3F90];
	s0 =	simm.s32 @p0 $0x1  }
0x13: {  	[smem:$0x3FAB] =	sst s0;
	s0 =	simm.s32 @!p1 $0x0  }
0x14: {  	s2 =	sld [smem:$0x3F8F];
	s0 =	simm.s32 @p1 $0x1  }
0x15: {  	[smem:$0x3FAC] =	sst s0;
	s0 =	simm.s32 @!p2 $0x0  }
0x16: {  	s3 =	sld [smem:$0x3FDB];
	s0 =	simm.s32 @p2 $0x1  }
0x17: {  	s4 =	simm.s32 $0x1BF5;
	[smem:$0x3FAE] =	sst s0  }
0x18: {  	s0 =	sld [smem:$0x3F91];
	_ =	swait.ge [sflag:s4], $0x0  }
0x19: {  	s7 =	sld [smem:$0x3F92]  }
0x1a: {  	s8 =	sadd.s32 $0xFFFFE003, lr  }
0x1b: {  	s9 =	sadd.s32 $0xFFFFFEF7, lr;
	s5 =	simm.s32 $0xFFFFFFFF;
	p2 =	slt.u32 s8, $0xFFFFF086  }
0x1c: {  	p1 =	slt.u32 s9, $0xF7A;
	s5 =	simm.s32 @!p2 $0x0  }
0x1d: {  	s5 =	simm.s32 @p1 $0x1;
	p0 =	seq.s32 s7, s2  }
0x1e: {  	s7 =	smul.u32 @!p0 $0xF7A, s2;
	p2 =	seq.s32 @!p0 s5, $0x0  }
0x1f: {  	s9 =	smul.u32 $0xF7A, s1;
	s8 =	simm.s32 @!p0 $0x1BF5;
	p2 =	por !p2, p0  }
0x20: {  	[sflag:s8] =	ssyncset.s32 @!p0 $0xFFFFF086;
	s6 =	sadd.s32 @!p0 s3, s7;
	s7 =	simm.s32 @!p0 $0x108  }
0x21: {  	s3 =	sadd.s32 s3, s9;
	s6 =	sadd.s32 @!p0 $0x88, s6;
	s7 =	simm.s32 @p2 $0x1082  }
0x22: {  	[simem:s7], [sflag:s8] =	dma.local @!p0 [hbm:s6], $0xF7A  }
0x23: {  	s9 =	sor.u32 $0xD0000000, s2;
	s6 =	simm.s32 $0x108;
	_ =	swait.ge @!p0 [sflag:s8], $0x0  }
0x24: {  	s3 =	sadd.s32 $0x88, s3;
	s6 =	simm.s32 @!p1 $0x1082;
	[sflag:s4] =	ssyncset.s32 $0xFFFFF086  }
0x25: {  	[simem:s6], [sflag:s4] =	dma.local [hbm:s3], $0xF7A  }
0x26: {  	[smem:$0x3F92] =	sst s1;
	(tag) =	ssettag s2;
	_ =	strace s9  }
0x27: {  	s1 =	sld [smem:$0x3FA2]  }
0x28: {  	s2 =	sld [smem:$0x3FA3]  }
0x29: {  	s4 =	sld [smem:$0x3FA5]  }
0x2a: {  	p0 =	seq.s32 s5, $0x0;
	s5 =	sld [smem:$0x3FA6]  }
0x2b: {  	s6 =	sld [smem:$0x3FA7]  }
0x2c: {  	s7 =	sld [smem:$0x3FA8]  }
0x2d: {  	s3 =	simm.s32 $0x108;
	s8 =	sld [smem:$0x3FA9]  }
0x2e: {  	s3 =	simm.s32 @!p0 $0x1082;
	s9 =	sld [smem:$0x3FAA]  }
0x2f: {  	lr =	sadd.s32 s0, s3;
	s0 =	sld [smem:$0x3FA1]  }
0x30: {  	s3 =	sld [smem:$0x3FA4]  }
0x31: {  	[smem:$0x3FAD] =	sst s10  }
0x32: {  	s10 =	sld [smem:$0x3FAB];
	_ =	sdelay $0x3  }
0x33: {  	p0 =	seq.s32 s10, $0x1;
	s10 =	sld [smem:$0x3FAD];
	_ =	sdelay $0x3  }
0x34: {  	[smem:$0x3FAD] =	sst s10  }
0x35: {  	s10 =	sld [smem:$0x3FAC];
	_ =	sdelay $0x3  }
0x36: {  	p1 =	seq.s32 s10, $0x1;
	s10 =	sld [smem:$0x3FAD];
	_ =	sdelay $0x3  }
0x37: {  	[smem:$0x3FAD] =	sst s10  }
0x38: {  	s10 =	sld [smem:$0x3FAE]  }
0x39: {  	_ = 	snop;
	(pc) =	sbr.ind lr, $3  }
0x3a: {  	_ = 	snop  }
0x3b: {  	_ = 	snop  }
0x3c: {  	p2 =	seq.s32 s10, $0x1;
	s10 =	sld [smem:$0x3FAD]  }
0x3d: {  	_ =	shalt  }
0x3e: {  	_ =	shalt  }
0x3f: {  	_ =	shalt  }
0x40: {  	_ =	shalt  }
0x41: {  	_ =	shalt  }
0x42: {  	_ =	shalt  }
0x43: {  	_ =	shalt  }
0x44: {  	_ =	shalt  }
0x45: {  	_ =	shalt  }
0x46: {  	_ =	shalt  }
0x47: {  	_ =	shalt  }
0x48: {  	_ =	shalt  }
0x49: {  	_ =	shalt  }
0x4a: {  	_ =	shalt  }
0x4b: {  	_ =	shalt  }
0x4c: {  	_ =	shalt  }
0x4d: {  	_ =	shalt  }
0x4e: {  	_ =	shalt  }
0x4f: {  	_ =	shalt  }
0x50: {  	_ =	shalt  }
0x51: {  	_ =	shalt  }
0x52: {  	_ =	shalt  }
0x53: {  	_ =	shalt  }
0x54: {  	_ =	shalt  }
0x55: {  	_ =	shalt  }
0x56: {  	_ =	shalt  }
0x57: {  	_ =	shalt  }
0x58: {  	_ =	shalt  }
0x59: {  	_ =	shalt  }
0x5a: {  	_ =	shalt  }
0x5b: {  	_ =	shalt  }
0x5c: {  	_ =	shalt  }
0x5d: {  	_ =	shalt  }
0x5e: {  	_ =	shalt  }
0x5f: {  	_ =	shalt  }
0x60: {  	_ =	shalt  }
0x61: {  	_ =	shalt  }
0x62: {  	_ =	shalt  }
0x63: {  	_ =	shalt  }
0x64: {  	_ =	shalt  }
0x65: {  	_ =	shalt  }
0x66: {  	_ =	shalt  }
0x67: {  	_ =	shalt  }
0x68: {  	_ =	shalt  }
0x69: {  	_ =	shalt  }
0x6a: {  	_ =	shalt  }
0x6b: {  	_ =	shalt  }
0x6c: {  	_ =	shalt  }
0x6d: {  	_ =	shalt  }
0x6e: {  	_ =	shalt  }
0x6f: {  	_ =	shalt  }
0x70: {  	_ =	shalt  }
0x71: {  	_ =	shalt  }
0x72: {  	_ =	shalt  }
0x73: {  	_ =	shalt  }
0x74: {  	_ =	shalt  }
0x75: {  	_ =	shalt  }
0x76: {  	_ =	shalt  }
0x77: {  	_ =	shalt  }
0x78: {  	_ =	shalt  }
0x79: {  	_ =	shalt  }
0x7a: {  	_ =	shalt  }
0x7b: {  	_ =	shalt  }
0x7c: {  	_ =	shalt  }
0x7d: {  	_ =	shalt  }
0x7e: {  	_ =	shalt  }
0x7f: {  	_ =	shalt  }
0x80: {  	_ =	shalt  }
0x81: {  	_ =	shalt  }
0x82: {  	_ =	shalt  }
0x83: {  	_ =	shalt  }
0x84: {  	_ =	shalt  }
0x85: {  	_ =	shalt  }
0x86: {  	_ =	shalt  }
0x87: {  	_ =	shalt  }
.Lfunc_end0:
.L_simem_size_0:
called_computation.2_lowered:
.L_overlay_start_0:
0x88: {  	s2 =	sld [smem:$0x3FD9]  }
0x89: {  	s3 =	sld [smem:$0x3FFE];
	_ =	sdelay $0x1  }
0x8a: {  	s1 =	srdreg.scid  }
0x8b: {  	s0 =	sand.u32 $0x1, s1  }
0x8c: {  	s15 =	sshll.u32 s0, $0xA;
	s2 =	sadd.s32 s3, s2  }
0x8d: {  	s2 =	sadd.s32 s2, s15  }
0x8e: {  	[smem:$0x3FB9] =	sst s2  }
0x8f: {  	_ = 	snop  }
0x90: {  	s2 =	sld [smem:$0x3FD0];
	_ =	sdelay $0x2  }
0x91: {  	s16 =	simm.s32 $0xC;
	s4 =	simm.s32 $0x10  }
0x92: {  	[smem:s4], [sflag:s16] =	dma.local [hbm:s2], $0x1  }
0x93: {  	_ =	swait.eq [sflag:s16], $0x1  }
0x94: {  	[sflag:s16] =	ssyncset.done $0x0  }
0x95: {  	[sflag:s16] =	ssyncadd.s32 $0xFFFFFFFF  }
0x96: {  	s17 =	sld [smem:$0x11];
	(tm) =	ssettm $0x1  }
0x97: {  	s18 =	sld [smem:$0x3FFB];
	_ =	sdelay $0x3  }
0x98: {  	_ =	strace s18  }
0x99: {  	s2 =	sld [smem:$0x3FFC];
	_ =	sdelay $0x3  }
0x9a: {  	_ =	strace s2  }
0x9b: {  	s2 =	sld [smem:$0x3FFD];
	_ =	sdelay $0x3  }
0x9c: {  	_ =	strace s2  }
0x9d: {  	_ =	strace $0x8FFFFFFF  }
0x9e: {  	s19 =	sld [smem:$0x3FDB];
	_ =	sdelay $0x1  }
0x9f: {  	s20 =	simm.s32 $_scs_section_size  }
0xa0: {  	s5 =	simm.s32 $_size__tile_overlayer_lowered;
	s6 =	simm.s32 $_tile_overlayer_lowered  }
0xa1: {  	s7 =	simm.s32 $0x1BFF;
	s21 =	sshll.u32 s6, $0x1;
	s4 =	sadd.s32 s20, s19  }
0xa2: {  	s22 =	simm.s32 $0x0;
	s5 =	sshll.u32 s5, $0x1;
	s6 =	sadd.s32 s21, s4  }
0xa3: {  	[timem:s22], [sflag:s7] =	dma.local [hbm:s6], s5  }
0xa4: {  	_ =	swait.ge [sflag:s7], s5  }
0xa5: {  	s5 =	ssub.s32 $0x0, s5;
	[sflag:s7] =	ssyncset.done $0x0  }
0xa6: {  	[sflag:s7] =	ssyncadd.s32 s5;
	_ =	sdelay $0x1  }
0xa7: {  	s23 =	simm.s32 $0x1B8B  }
0xa8: {  	_ =	swait.ge [sflag:s23], $0x1  }
0xa9: {  	[sflag:s23] =	ssyncset.done $0x0  }
0xaa: {  	[sflag:s23] =	ssyncadd.s32 $0xFFFFFFFF  }
0xab: {  	s5 =	sld [smem:$0x0]  }
0xac: {  	s6 =	sand.u32 $0xFFFFFFFE, s1  }
0xad: {  	p0 =	sne.s32 s1, s6  }
0xae: {  	s6 =	sshll.u32 @p0 s6, $0xE  }
0xaf: {  	s6 =	sadd.s32 @p0 $0x11B8D, s6;
	s7 =	sshll.u32 @p0 s5, $0x11  }
0xb0: {  	s6 =	sor.u32 @p0 s7, s6  }
0xb1: {  	[sflag:s6] =	ssyncadd.remote.s32 @p0 $0x1;
	_ =	sdelay $0x1  }
0xb2: {  	s6 =	simm.s32 @p0 $0x1B8D  }
0xb3: {  	_ =	swait.eq @p0 [sflag:s6], $0x1  }
0xb4: {  	[sflag:s6] =	ssyncadd.s32 @p0 $0xFFFFFFFF  }
0xb5: {  	s7 =	sshll.u32 @!p0 s1, $0xE  }
0xb6: {  	s7 =	sor.u32 @!p0 $0x4000, s7;
	s6 =	simm.s32 @!p0 $0x1B8D  }
0xb7: {  	s5 =	sshll.u32 @!p0 s5, $0x11;
	s7 =	sadd.s32 @!p0 $0x11B8D, s7;
	_ =	swait.eq @!p0 [sflag:s6], $0x1  }
0xb8: {  	s5 =	sor.u32 @!p0 s5, s7;
	[sflag:s6] =	ssyncadd.s32 @!p0 $0xFFFFFFFF  }
0xb9: {  	s25 =	simm.s32 $0x1B8E;
	s24 =	sld [smem:$0x3FFE];
	[sflag:s5] =	ssyncadd.remote.s32 @!p0 $0x1  }
0xba: {  	s26 =	simm.s32 $execute0_lowered;
	[smem:$0x3FD2] =	sst s25  }
0xbb: {  	s6 =	sshll.u32 s26, $0x1;
	_ =	strace $0x8000004C;
	[dreg:$0x1] =	wrdreg $0xFFFFFFFF  }
0xbc: {  	s28 =	simm.s32 $_size_execute0_lowered;
	s4 =	sadd.s32 s4, s6;
	[dreg:$0x0] =	wrdreg $0x0  }
0xbd: {  	s6 =	sshll.u32 s28, $0x1;
	[dreg:$0x2] =	wrdreg s4  }
0xbe: {  	[dreg:$0x3] =	wrdreg s6  }
0xbf: {  	[dreg:$0x4] =	wrdreg $0xC0  }
0xc0: {  	_ =	task [dreg:s22], $0x5FFFF  }
0xc1: {  	[dreg:$0x1] =	wrdreg $0xFFFFFFFF  }
0xc2: {  	[dreg:$0x0] =	wrdreg $0x60  }
0xc3: {  	[dreg:$0x2] =	wrdreg s24  }
0xc4: {  	[dreg:$0x3] =	wrdreg s17  }
0xc5: {  	[dreg:$0x4] =	wrdreg $0x9  }
0xc6: {  	_ =	task.clear_ibuf [dreg:s22], $0x5FFFF;
	_ =	strace $0x9000004C  }
0xc7: {  	s29 =	simm.s32 $0x9;
	_ =	strace $0x8000004E  }
0xc8: {  	_ =	swait.ge [sflag:s29], $0x1  }
0xc9: {  	[sflag:s29] =	ssyncadd.s32 $0xFFFFFFFF  }
0xca: {  	_ =	strace $0x9000004E  }
0xcb: {  	_ =	sfence  }
0xcc: {  	s30 =	sld [smem:$0x0];
	_ =	sdelay $0x2  }
0xcd: {  	s31 =	sshll.u32 s1, $0xD;
	s1 =	sshrl.u32 s1, $0x2  }
0xce: {  	s4 =	sand.u32 $0x4000, s31;
	s1 =	sadd.s32 s1, s30  }
0xcf: {  	s0 =	sor.u32 s4, s0;
	s1 =	sshll.u32 s1, $0x11  }
0xd0: {  	s0 =	sor.u32 s1, s0  }
0xd1: {  	s0 =	sadd.s32 $0x8F2B, s0  }
0xd2: {  	[sflag:s0] =	ssyncadd.remote.s32 $0x1  }
0xd3: {  	_ =	sfence.sel $0xFFFF  }
0xd4: {  	[dreg:$0x0] =	wrdreg $0xFFFFFFFF;
	(pc) =	sbr.abs _section_cstart, $3  }
0xd5: {  	[dreg:$0x1] =	wrdreg $0xFFFFFFFF  }
0xd6: {  	_ =	task.clear_ibuf [dreg:s22], $0x2FFFF;
	_ =	strace $0x9FFFFFFF  }
0xd7: {  	(tm) =	ssettm $0x7FFFFFFF  }
tec
execute0_lowered:
.L_overlay_start_1:
0x0: {  	(tag) =	ssettag $0x1  }
0x1: {  	s4 =	rddreg [dreg:$0x0]  }
0x2: {  	s6 =	rddreg [dreg:$0x1]  }
0x3: {  	s0 =	rddreg [dreg:$0x2];
	s2 =	simm.s32 $0x0;
	s1 =	stileid.u32  }
0x4: {  	s3 =	srdreg.scid;
	[smem:$0x7FF] =	sst s2  }
0x5: {  	s5 =	sshll.u32 s1, $0x11;
	s7 =	sand.u32 $0x1, s3;
	s3 =	sadd.s32 $0x447600, s4  }
0x6: {  	s9 =	sshll.u32 s1, $0xD;
	_ =	strace $0x8000004D;
	s5 =	sadd.s32 s5, s4  }
0x7: {  	s29 =	ssub.s32 $0x2, s7;
	s10 =	sshll.u32 s7, $0xC;
	s7 =	sshll.u32 s7, $0x10  }
0x8: {  	s8 =	sshrl.u32 s29, $0x1;
	s30 =	sor.u32 s10, s9;
	s5 =	sadd.s32 s7, s5  }
0x9: {  	s7 =	simm.s32 $0x2;
	s9 =	simm.s32 $0x1;
	s10 =	simm.s32 $0x0  }
0xa: {  	s4 =	ssub.s32 s29, s8;
	s31 =	sshrl.u32 s30, $0x3;
	s5 =	sadd.s32 $0x467600, s5  }
0xb: {  	s8 =	simm.s32 $0x80;
	s4 =	smax.u32 s4, $0x1;
	s6 =	sadd.s32 s31, s6  }
.LBB2_1:
0xc: {  	s11 =	sadd.s32 $0x0, s6  }
0xd: {  	[tilespmem:s2], [sflag:$0x2] =	stream.linear.gather [hbm4b:s11+s2], $0x80, $0x38;
	[tilespmem:$0x4080] =	vst v63  }
0xe: {  	_ =	swait.ge [sflag:s7], $0x80  }
0xf: {  	[sflag:s7] =	ssyncset.done $0x0  }
0x10: {  	[sflag:s7] =	ssyncadd.s32 $0xFFFFFF80  }
0x11: {  	[tilespmem:s8], [sflag:$0x1] =	stream.indirect.gather [hbm4b:s3+s8], $0x80, s2, s8, $0xb8;
	[tilespmem:$0x4080] =	vst v63  }
0x12: {  	_ =	swait.ge [sflag:s9], $0x4000  }
0x13: {  	[sflag:s9] =	ssyncset.done $0x0  }
0x14: {  	[sflag:s9] =	ssyncadd.s32 $0xFFFFC000  }
0x15: {  	[hbm4b:s5+s2] =	stream.linear.scatter [tilespmem:s8], [sflag:$0x2], $0x4000, $0x38;
	[tilespmem:$0x4080] =	vst v63  }
0x16: {  	s12 =	simm.s32 $0x10;
	_ =	swait.ge [sflag:s7], $0x4000  }
0x17: {  	s13 =	simm.s32 $0x20;
	s11 =	sadd.s32 $0x800, s5;
	[sflag:s7] =	ssyncset.done $0x0  }
.LBB2_2:
0x18: {  	s14 =	sadd.s32 s12, s6  }
0x19: {  	[sflag:s7] =	ssyncadd.s32 $0xFFFFC000;
	s12 =	smov.u32 s13;
	s15 =	sadd.s32 $0x10, s13  }
0x1a: {  	[tilespmem:s2], [sflag:$0x2] =	stream.linear.gather [hbm4b:s14+s2], $0x80, $0x38;
	[tilespmem:$0x4080] =	vst v63  }
0x1b: {  	p0 =	sne.s32 s13, $0x1F0;
	_ =	swait.ge [sflag:s7], $0x80  }
0x1c: {  	[sflag:s7] =	ssyncset.done $0x0  }
0x1d: {  	[sflag:s7] =	ssyncadd.s32 $0xFFFFFF80  }
0x1e: {  	[tilespmem:s8], [sflag:$0x1] =	stream.indirect.gather [hbm4b:s3+s8], $0x80, s2, s8, $0xb8;
	[tilespmem:$0x4080] =	vst v63  }
0x1f: {  	_ =	swait.ge [sflag:s9], $0x4000  }
.Ltmp0:
0x20: {  	[sflag:s9] =	ssyncset.done $0x0;
	(pc) =	sbr.rel @p0 .LBB2_2-.Ltmp0, $4  }
0x21: {  	[sflag:s9] =	ssyncadd.s32 $0xFFFFC000  }
0x22: {  	[hbm4b:s11+s2] =	stream.linear.scatter [tilespmem:s8], [sflag:$0x2], $0x4000, $0x38;
	[tilespmem:$0x4080] =	vst v63  }
0x23: {  	_ =	swait.ge [sflag:s7], $0x4000  }
0x24: {  	s13 =	smov.u32 s15;
	s11 =	sadd.s32 $0x800, s11;
	[sflag:s7] =	ssyncset.done $0x0  }
0x25: {  	s12 =	sadd.s32 s12, s6;
	[sflag:s7] =	ssyncadd.s32 $0xFFFFC000  }
0x26: {  	[tilespmem:s2], [sflag:$0x2] =	stream.linear.gather [hbm4b:s12+s2], $0x80, $0x38;
	[tilespmem:$0x4080] =	vst v63  }
0x27: {  	_ =	swait.ge [sflag:s7], $0x80  }
0x28: {  	[sflag:s7] =	ssyncset.done $0x0  }
0x29: {  	[sflag:s7] =	ssyncadd.s32 $0xFFFFFF80  }
0x2a: {  	[tilespmem:s8], [sflag:$0x1] =	stream.indirect.gather [hbm4b:s3+s8], $0x80, s2, s8, $0xb8;
	[tilespmem:$0x4080] =	vst v63  }
0x2b: {  	s10 =	sadd.s32 $0x1, s10;
	_ =	swait.ge [sflag:s9], $0x4000  }
0x2c: {  	p0 =	sne.s32 s10, s4;
	[sflag:s9] =	ssyncset.done $0x0  }
.Ltmp1:
0x2d: {  	[sflag:s9] =	ssyncadd.s32 $0xFFFFC000;
	(pc) =	sbr.rel @p0 .LBB2_1-.Ltmp1, $4  }
0x2e: {  	[hbm4b:s11+s2] =	stream.linear.scatter [tilespmem:s8], [sflag:$0x2], $0x4000, $0x38;
	[tilespmem:$0x4080] =	vst v63  }
0x2f: {  	_ =	swait.ge [sflag:s7], $0x4000  }
0x30: {  	[sflag:s7] =	ssyncset.done $0x0  }
0x31: {  	[sflag:s7] =	ssyncadd.s32 $0xFFFFC000  }
0x32: {  	_ =	sfence.sel $0x180000  }
0x33: {  	[bflag:$0x0] =	sbarrier.arrive $0xFFFF  }
0x34: {  	p0 =	sne.s32 s1, $0x0;
	_ =	strace $0x9000004D  }
0x35: {  	s0 =	sadd.s32 @!p0 $0x100000, s0;
	[bflag:$0x2] =	sbarrier.arrive $0xFFFF  }
0x36: {  	[sflag:s0] =	ssyncadd.tile.s32 @!p0 $0x1;
	_ =	shalt  }
.Lfunc_end2:
_tile_overlayer_lowered:
.L_overlay_start_2:
0x37: {  	(tag) =	ssettag $0x2  }
0x38: {  	s0 =	rddreg [dreg:$0x0];
	s2 =	stileid.u32  }
0x39: {  	s1 =	rddreg [dreg:$0x1];
	p0 =	sne.s32 s2, $0x0  }
0x3a: {  	s3 =	rddreg [dreg:$0x2];
	[bflag:$0x3] =	sbarrier.arrive $0xFFFF;
	s2 =	simm.s32 @!p0 $0x1C02  }
0x3b: {  	[timem:s3], [sflag:s2] =	dma.local @!p0 [hbm:s0], s1  }
0x3c: {  	s0 =	simm.s32 @!p0 $0x2  }
0x3d: {  	_ =	swait.ge @!p0 [sflag:s0], s1  }
0x3e: {  	s1 =	ssub.s32 @!p0 $0x0, s1;
	[sflag:s0] =	ssyncset.done @!p0 $0x0  }
0x3f: {  	[sflag:s0] =	ssyncadd.s32 @!p0 s1  }
0x40: {  	[bflag:$0x3] =	sbarrier.arrive $0xFFFF  }
0x41: {  	_ =	shalt  }

// kernel: kernel.22.cloned.1.call-start
scs
__scs_entry_jumppad:
0x0: {  	(pc) =	sbr.rel $0x88, $3  }
0x1: {  	(tag) =	ssettag $0x0;
	lr =	simm.s32 $0x1  }
0x2: {  	[smem:$0x3F92] =	sst lr;
	_ =	strace $0xD0000000  }
0x3: {  	_ = 	snop  }
0x4: {  	_ = 	snop  }
0x5: {  	_ = 	snop  }
0x6: {  	_ = 	snop  }
0x7: {  	_ = 	snop  }
__scs_overlays_trampoline_lowered:
0x8: {  	[smem:$0x3FA1] =	sst s0  }
0x9: {  	[smem:$0x3FA2] =	sst s1  }
0xa: {  	[smem:$0x3FA3] =	sst s2  }
0xb: {  	[smem:$0x3FA4] =	sst s3  }
0xc: {  	[smem:$0x3FA5] =	sst s4  }
0xd: {  	[smem:$0x3FA6] =	sst s5  }
0xe: {  	[smem:$0x3FA7] =	sst s6  }
0xf: {  	[smem:$0x3FA8] =	sst s7  }
0x10: {  	[smem:$0x3FA9] =	sst s8  }
0x11: {  	[smem:$0x3FAA] =	sst s9;
	s0 =	simm.s32 @!p0 $0x0  }
0x12: {  	s1 =	sld [smem:$0x3F90];
	s0 =	simm.s32 @p0 $0x1  }
0x13: {  	[smem:$0x3FAB] =	sst s0;
	s0 =	simm.s32 @!p1 $0x0  }
0x14: {  	s2 =	sld [smem:$0x3F8F];
	s0 =	simm.s32 @p1 $0x1  }
0x15: {  	[smem:$0x3FAC] =	sst s0;
	s0 =	simm.s32 @!p2 $0x0  }
0x16: {  	s3 =	sld [smem:$0x3FDB];
	s0 =	simm.s32 @p2 $0x1  }
0x17: {  	s4 =	simm.s32 $0x1BF5;
	[smem:$0x3FAE] =	sst s0  }
0x18: {  	s0 =	sld [smem:$0x3F91];
	_ =	swait.ge [sflag:s4], $0x0  }
0x19: {  	s7 =	sld [smem:$0x3F92]  }
0x1a: {  	s8 =	sadd.s32 $0xFFFFE003, lr  }
0x1b: {  	s9 =	sadd.s32 $0xFFFFFEF7, lr;
	s5 =	simm.s32 $0xFFFFFFFF;
	p2 =	slt.u32 s8, $0xFFFFF086  }
0x1c: {  	p1 =	slt.u32 s9, $0xF7A;
	s5 =	simm.s32 @!p2 $0x0  }
0x1d: {  	s5 =	simm.s32 @p1 $0x1;
	p0 =	seq.s32 s7, s2  }
0x1e: {  	s7 =	smul.u32 @!p0 $0xF7A, s2;
	p2 =	seq.s32 @!p0 s5, $0x0  }
0x1f: {  	s9 =	smul.u32 $0xF7A, s1;
	s8 =	simm.s32 @!p0 $0x1BF5;
	p2 =	por !p2, p0  }
0x20: {  	[sflag:s8] =	ssyncset.s32 @!p0 $0xFFFFF086;
	s6 =	sadd.s32 @!p0 s3, s7;
	s7 =	simm.s32 @!p0 $0x108  }
0x21: {  	s3 =	sadd.s32 s3, s9;
	s6 =	sadd.s32 @!p0 $0x88, s6;
	s7 =	simm.s32 @p2 $0x1082  }
0x22: {  	[simem:s7], [sflag:s8] =	dma.local @!p0 [hbm:s6], $0xF7A  }
0x23: {  	s9 =	sor.u32 $0xD0000000, s2;
	s6 =	simm.s32 $0x108;
	_ =	swait.ge @!p0 [sflag:s8], $0x0  }
0x24: {  	s3 =	sadd.s32 $0x88, s3;
	s6 =	simm.s32 @!p1 $0x1082;
	[sflag:s4] =	ssyncset.s32 $0xFFFFF086  }
0x25: {  	[simem:s6], [sflag:s4] =	dma.local [hbm:s3], $0xF7A  }
0x26: {  	[smem:$0x3F92] =	sst s1;
	(tag) =	ssettag s2;
	_ =	strace s9  }
0x27: {  	s1 =	sld [smem:$0x3FA2]  }
0x28: {  	s2 =	sld [smem:$0x3FA3]  }
0x29: {  	s4 =	sld [smem:$0x3FA5]  }
0x2a: {  	p0 =	seq.s32 s5, $0x0;
	s5 =	sld [smem:$0x3FA6]  }
0x2b: {  	s6 =	sld [smem:$0x3FA7]  }
0x2c: {  	s7 =	sld [smem:$0x3FA8]  }
0x2d: {  	s3 =	simm.s32 $0x108;
	s8 =	sld [smem:$0x3FA9]  }
0x2e: {  	s3 =	simm.s32 @!p0 $0x1082;
	s9 =	sld [smem:$0x3FAA]  }
0x2f: {  	lr =	sadd.s32 s0, s3;
	s0 =	sld [smem:$0x3FA1]  }
0x30: {  	s3 =	sld [smem:$0x3FA4]  }
0x31: {  	[smem:$0x3FAD] =	sst s10  }
0x32: {  	s10 =	sld [smem:$0x3FAB];
	_ =	sdelay $0x3  }
0x33: {  	p0 =	seq.s32 s10, $0x1;
	s10 =	sld [smem:$0x3FAD];
	_ =	sdelay $0x3  }
0x34: {  	[smem:$0x3FAD] =	sst s10  }
0x35: {  	s10 =	sld [smem:$0x3FAC];
	_ =	sdelay $0x3  }
0x36: {  	p1 =	seq.s32 s10, $0x1;
	s10 =	sld [smem:$0x3FAD];
	_ =	sdelay $0x3  }
0x37: {  	[smem:$0x3FAD] =	sst s10  }
0x38: {  	s10 =	sld [smem:$0x3FAE]  }
0x39: {  	_ = 	snop;
	(pc) =	sbr.ind lr, $3  }
0x3a: {  	_ = 	snop  }
0x3b: {  	_ = 	snop  }
0x3c: {  	p2 =	seq.s32 s10, $0x1;
	s10 =	sld [smem:$0x3FAD]  }
0x3d: {  	_ =	shalt  }
0x3e: {  	_ =	shalt  }
0x3f: {  	_ =	shalt  }
0x40: {  	_ =	shalt  }
0x41: {  	_ =	shalt  }
0x42: {  	_ =	shalt  }
0x43: {  	_ =	shalt  }
0x44: {  	_ =	shalt  }
0x45: {  	_ =	shalt  }
0x46: {  	_ =	shalt  }
0x47: {  	_ =	shalt  }
0x48: {  	_ =	shalt  }
0x49: {  	_ =	shalt  }
0x4a: {  	_ =	shalt  }
0x4b: {  	_ =	shalt  }
0x4c: {  	_ =	shalt  }
0x4d: {  	_ =	shalt  }
0x4e: {  	_ =	shalt  }
0x4f: {  	_ =	shalt  }
0x50: {  	_ =	shalt  }
0x51: {  	_ =	shalt  }
0x52: {  	_ =	shalt  }
0x53: {  	_ =	shalt  }
0x54: {  	_ =	shalt  }
0x55: {  	_ =	shalt  }
0x56: {  	_ =	shalt  }
0x57: {  	_ =	shalt  }
0x58: {  	_ =	shalt  }
0x59: {  	_ =	shalt  }
0x5a: {  	_ =	shalt  }
0x5b: {  	_ =	shalt  }
0x5c: {  	_ =	shalt  }
0x5d: {  	_ =	shalt  }
0x5e: {  	_ =	shalt  }
0x5f: {  	_ =	shalt  }
0x60: {  	_ =	shalt  }
0x61: {  	_ =	shalt  }
0x62: {  	_ =	shalt  }
0x63: {  	_ =	shalt  }
0x64: {  	_ =	shalt  }
0x65: {  	_ =	shalt  }
0x66: {  	_ =	shalt  }
0x67: {  	_ =	shalt  }
0x68: {  	_ =	shalt  }
0x69: {  	_ =	shalt  }
0x6a: {  	_ =	shalt  }
0x6b: {  	_ =	shalt  }
0x6c: {  	_ =	shalt  }
0x6d: {  	_ =	shalt  }
0x6e: {  	_ =	shalt  }
0x6f: {  	_ =	shalt  }
0x70: {  	_ =	shalt  }
0x71: {  	_ =	shalt  }
0x72: {  	_ =	shalt  }
0x73: {  	_ =	shalt  }
0x74: {  	_ =	shalt  }
0x75: {  	_ =	shalt  }
0x76: {  	_ =	shalt  }
0x77: {  	_ =	shalt  }
0x78: {  	_ =	shalt  }
0x79: {  	_ =	shalt  }
0x7a: {  	_ =	shalt  }
0x7b: {  	_ =	shalt  }
0x7c: {  	_ =	shalt  }
0x7d: {  	_ =	shalt  }
0x7e: {  	_ =	shalt  }
0x7f: {  	_ =	shalt  }
0x80: {  	_ =	shalt  }
0x81: {  	_ =	shalt  }
0x82: {  	_ =	shalt  }
0x83: {  	_ =	shalt  }
0x84: {  	_ =	shalt  }
0x85: {  	_ =	shalt  }
0x86: {  	_ =	shalt  }
0x87: {  	_ =	shalt  }
.Lfunc_end0:
.L_simem_size_0:
called_computation.3_lowered:
.L_overlay_start_0:
0x88: {  	s2 =	sld [smem:$0x3FD9]  }
0x89: {  	s3 =	sld [smem:$0x3FFE];
	_ =	sdelay $0x1  }
0x8a: {  	s1 =	srdreg.scid  }
0x8b: {  	s0 =	sand.u32 $0x1, s1  }
0x8c: {  	s15 =	sshll.u32 s0, $0xA;
	s2 =	sadd.s32 s3, s2  }
0x8d: {  	s2 =	sadd.s32 s2, s15  }
0x8e: {  	[smem:$0x3FB9] =	sst s2  }
0x8f: {  	_ = 	snop  }
0x90: {  	s2 =	sld [smem:$0x3FD0];
	_ =	sdelay $0x2  }
0x91: {  	s16 =	simm.s32 $0xC;
	s4 =	simm.s32 $0x10  }
0x92: {  	[smem:s4], [sflag:s16] =	dma.local [hbm:s2], $0x1  }
0x93: {  	_ =	swait.eq [sflag:s16], $0x1  }
0x94: {  	[sflag:s16] =	ssyncset.done $0x0  }
0x95: {  	[sflag:s16] =	ssyncadd.s32 $0xFFFFFFFF  }
0x96: {  	s17 =	sld [smem:$0x11];
	(tm) =	ssettm $0x1  }
0x97: {  	s18 =	sld [smem:$0x3FFB];
	_ =	sdelay $0x3  }
0x98: {  	_ =	strace s18  }
0x99: {  	s2 =	sld [smem:$0x3FFC];
	_ =	sdelay $0x3  }
0x9a: {  	_ =	strace s2  }
0x9b: {  	s2 =	sld [smem:$0x3FFD];
	_ =	sdelay $0x3  }
0x9c: {  	_ =	strace s2  }
0x9d: {  	_ =	strace $0x8FFFFFFF  }
0x9e: {  	s19 =	sld [smem:$0x3FDB];
	_ =	sdelay $0x1  }
0x9f: {  	s20 =	simm.s32 $_scs_section_size  }
0xa0: {  	s5 =	simm.s32 $_size__tile_overlayer_lowered;
	s6 =	simm.s32 $_tile_overlayer_lowered  }
0xa1: {  	s7 =	simm.s32 $0x1BFF;
	s21 =	sshll.u32 s6, $0x1;
	s4 =	sadd.s32 s20, s19  }
0xa2: {  	s22 =	simm.s32 $0x0;
	s5 =	sshll.u32 s5, $0x1;
	s6 =	sadd.s32 s21, s4  }
0xa3: {  	[timem:s22], [sflag:s7] =	dma.local [hbm:s6], s5  }
0xa4: {  	_ =	swait.ge [sflag:s7], s5  }
0xa5: {  	s5 =	ssub.s32 $0x0, s5;
	[sflag:s7] =	ssyncset.done $0x0  }
0xa6: {  	[sflag:s7] =	ssyncadd.s32 s5;
	_ =	sdelay $0x1  }
0xa7: {  	s23 =	simm.s32 $0x1B8B  }
0xa8: {  	_ =	swait.ge [sflag:s23], $0x1  }
0xa9: {  	[sflag:s23] =	ssyncset.done $0x0  }
0xaa: {  	[sflag:s23] =	ssyncadd.s32 $0xFFFFFFFF  }
0xab: {  	s5 =	sld [smem:$0x0]  }
0xac: {  	s6 =	sand.u32 $0xFFFFFFFE, s1  }
0xad: {  	p0 =	sne.s32 s1, s6  }
0xae: {  	s6 =	sshll.u32 @p0 s6, $0xE  }
0xaf: {  	s6 =	sadd.s32 @p0 $0x11B8D, s6;
	s7 =	sshll.u32 @p0 s5, $0x11  }
0xb0: {  	s6 =	sor.u32 @p0 s7, s6  }
0xb1: {  	[sflag:s6] =	ssyncadd.remote.s32 @p0 $0x1;
	_ =	sdelay $0x1  }
0xb2: {  	s6 =	simm.s32 @p0 $0x1B8D  }
0xb3: {  	_ =	swait.eq @p0 [sflag:s6], $0x1  }
0xb4: {  	[sflag:s6] =	ssyncadd.s32 @p0 $0xFFFFFFFF  }
0xb5: {  	s7 =	sshll.u32 @!p0 s1, $0xE  }
0xb6: {  	s7 =	sor.u32 @!p0 $0x4000, s7;
	s6 =	simm.s32 @!p0 $0x1B8D  }
0xb7: {  	s5 =	sshll.u32 @!p0 s5, $0x11;
	s7 =	sadd.s32 @!p0 $0x11B8D, s7;
	_ =	swait.eq @!p0 [sflag:s6], $0x1  }
0xb8: {  	s5 =	sor.u32 @!p0 s5, s7;
	[sflag:s6] =	ssyncadd.s32 @!p0 $0xFFFFFFFF  }
0xb9: {  	s25 =	simm.s32 $0x1B8E;
	s24 =	sld [smem:$0x3FFE];
	[sflag:s5] =	ssyncadd.remote.s32 @!p0 $0x1  }
0xba: {  	s26 =	simm.s32 $execute0_lowered;
	[smem:$0x3FD2] =	sst s25  }
0xbb: {  	s6 =	sshll.u32 s26, $0x1;
	_ =	strace $0x8000004F;
	[dreg:$0x1] =	wrdreg $0xFFFFFFFF  }
0xbc: {  	s28 =	simm.s32 $_size_execute0_lowered;
	s4 =	sadd.s32 s4, s6;
	[dreg:$0x0] =	wrdreg $0x0  }
0xbd: {  	s6 =	sshll.u32 s28, $0x1;
	[dreg:$0x2] =	wrdreg s4  }
0xbe: {  	[dreg:$0x3] =	wrdreg s6  }
0xbf: {  	[dreg:$0x4] =	wrdreg $0xC0  }
0xc0: {  	_ =	task [dreg:s22], $0x5FFFF  }
0xc1: {  	[dreg:$0x1] =	wrdreg $0xFFFFFFFF  }
0xc2: {  	[dreg:$0x0] =	wrdreg $0x60  }
0xc3: {  	[dreg:$0x2] =	wrdreg s24  }
0xc4: {  	[dreg:$0x3] =	wrdreg s17  }
0xc5: {  	[dreg:$0x4] =	wrdreg $0xA  }
0xc6: {  	_ =	task.clear_ibuf [dreg:s22], $0x5FFFF;
	_ =	strace $0x9000004F  }
0xc7: {  	s29 =	simm.s32 $0xA;
	_ =	strace $0x80000051  }
0xc8: {  	_ =	swait.ge [sflag:s29], $0x1  }
0xc9: {  	[sflag:s29] =	ssyncadd.s32 $0xFFFFFFFF  }
0xca: {  	_ =	strace $0x90000051  }
0xcb: {  	_ =	sfence  }
0xcc: {  	s30 =	sld [smem:$0x0];
	_ =	sdelay $0x2  }
0xcd: {  	s31 =	sshll.u32 s1, $0xD;
	s1 =	sshrl.u32 s1, $0x2  }
0xce: {  	s4 =	sand.u32 $0x4000, s31;
	s1 =	sadd.s32 s1, s30  }
0xcf: {  	s0 =	sor.u32 s4, s0;
	s1 =	sshll.u32 s1, $0x11  }
0xd0: {  	s0 =	sor.u32 s1, s0  }
0xd1: {  	s0 =	sadd.s32 $0x8F2B, s0  }
0xd2: {  	[sflag:s0] =	ssyncadd.remote.s32 $0x1  }
0xd3: {  	_ =	sfence.sel $0xFFFF  }
0xd4: {  	[dreg:$0x0] =	wrdreg $0xFFFFFFFF;
	(pc) =	sbr.abs _section_cstart, $3  }
0xd5: {  	[dreg:$0x1] =	wrdreg $0xFFFFFFFF  }
0xd6: {  	_ =	task.clear_ibuf [dreg:s22], $0x2FFFF;
	_ =	strace $0x9FFFFFFF  }
0xd7: {  	(tm) =	ssettm $0x7FFFFFFF  }
tec
execute0_lowered:
.L_overlay_start_1:
0x0: {  	(tag) =	ssettag $0x1  }
0x1: {  	s4 =	rddreg [dreg:$0x0]  }
0x2: {  	s6 =	rddreg [dreg:$0x1]  }
0x3: {  	s0 =	rddreg [dreg:$0x2];
	s2 =	simm.s32 $0x0;
	s1 =	stileid.u32  }
0x4: {  	s3 =	srdreg.scid;
	[smem:$0x7FF] =	sst s2  }
0x5: {  	s5 =	sshll.u32 s1, $0x11;
	s7 =	sand.u32 $0x1, s3;
	s3 =	sadd.s32 $0x3600, s4  }
0x6: {  	s9 =	sshll.u32 s1, $0xD;
	_ =	strace $0x80000050;
	s5 =	sadd.s32 s5, s4  }
0x7: {  	s29 =	ssub.s32 $0x2, s7;
	s10 =	sshll.u32 s7, $0xC;
	s7 =	sshll.u32 s7, $0x10  }
0x8: {  	s8 =	sshrl.u32 s29, $0x1;
	s30 =	sor.u32 s10, s9;
	s5 =	sadd.s32 s7, s5  }
0x9: {  	s7 =	simm.s32 $0x2;
	s9 =	simm.s32 $0x1;
	s10 =	simm.s32 $0x0  }
0xa: {  	s4 =	ssub.s32 s29, s8;
	s31 =	sshrl.u32 s30, $0x3;
	s5 =	sadd.s32 $0x23600, s5  }
0xb: {  	s8 =	simm.s32 $0x80;
	s4 =	smax.u32 s4, $0x1;
	s6 =	sadd.s32 s31, s6  }
.LBB2_1:
0xc: {  	s11 =	sadd.s32 $0x0, s6  }
0xd: {  	[tilespmem:s2], [sflag:$0x2] =	stream.linear.gather [hbm4b:s11+s2], $0x80, $0x38;
	[tilespmem:$0x4080] =	vst v63  }
0xe: {  	_ =	swait.ge [sflag:s7], $0x80  }
0xf: {  	[sflag:s7] =	ssyncset.done $0x0  }
0x10: {  	[sflag:s7] =	ssyncadd.s32 $0xFFFFFF80  }
0x11: {  	[tilespmem:s8], [sflag:$0x1] =	stream.indirect.gather [hbm4b:s3+s8], $0x80, s2, s8, $0xb8;
	[tilespmem:$0x4080] =	vst v63  }
0x12: {  	_ =	swait.ge [sflag:s9], $0x4000  }
0x13: {  	[sflag:s9] =	ssyncset.done $0x0  }
0x14: {  	[sflag:s9] =	ssyncadd.s32 $0xFFFFC000  }
0x15: {  	[hbm4b:s5+s2] =	stream.linear.scatter [tilespmem:s8], [sflag:$0x2], $0x4000, $0x38;
	[tilespmem:$0x4080] =	vst v63  }
0x16: {  	s12 =	simm.s32 $0x10;
	_ =	swait.ge [sflag:s7], $0x4000  }
0x17: {  	s13 =	simm.s32 $0x20;
	s11 =	sadd.s32 $0x800, s5;
	[sflag:s7] =	ssyncset.done $0x0  }
.LBB2_2:
0x18: {  	s14 =	sadd.s32 s12, s6  }
0x19: {  	[sflag:s7] =	ssyncadd.s32 $0xFFFFC000;
	s12 =	smov.u32 s13;
	s15 =	sadd.s32 $0x10, s13  }
0x1a: {  	[tilespmem:s2], [sflag:$0x2] =	stream.linear.gather [hbm4b:s14+s2], $0x80, $0x38;
	[tilespmem:$0x4080] =	vst v63  }
0x1b: {  	p0 =	sne.s32 s13, $0x1F0;
	_ =	swait.ge [sflag:s7], $0x80  }
0x1c: {  	[sflag:s7] =	ssyncset.done $0x0  }
0x1d: {  	[sflag:s7] =	ssyncadd.s32 $0xFFFFFF80  }
0x1e: {  	[tilespmem:s8], [sflag:$0x1] =	stream.indirect.gather [hbm4b:s3+s8], $0x80, s2, s8, $0xb8;
	[tilespmem:$0x4080] =	vst v63  }
0x1f: {  	_ =	swait.ge [sflag:s9], $0x4000  }
.Ltmp0:
0x20: {  	[sflag:s9] =	ssyncset.done $0x0;
	(pc) =	sbr.rel @p0 .LBB2_2-.Ltmp0, $4  }
0x21: {  	[sflag:s9] =	ssyncadd.s32 $0xFFFFC000  }
0x22: {  	[hbm4b:s11+s2] =	stream.linear.scatter [tilespmem:s8], [sflag:$0x2], $0x4000, $0x38;
	[tilespmem:$0x4080] =	vst v63  }
0x23: {  	_ =	swait.ge [sflag:s7], $0x4000  }
0x24: {  	s13 =	smov.u32 s15;
	s11 =	sadd.s32 $0x800, s11;
	[sflag:s7] =	ssyncset.done $0x0  }
0x25: {  	s12 =	sadd.s32 s12, s6;
	[sflag:s7] =	ssyncadd.s32 $0xFFFFC000  }
0x26: {  	[tilespmem:s2], [sflag:$0x2] =	stream.linear.gather [hbm4b:s12+s2], $0x80, $0x38;
	[tilespmem:$0x4080] =	vst v63  }
0x27: {  	_ =	swait.ge [sflag:s7], $0x80  }
0x28: {  	[sflag:s7] =	ssyncset.done $0x0  }
0x29: {  	[sflag:s7] =	ssyncadd.s32 $0xFFFFFF80  }
0x2a: {  	[tilespmem:s8], [sflag:$0x1] =	stream.indirect.gather [hbm4b:s3+s8], $0x80, s2, s8, $0xb8;
	[tilespmem:$0x4080] =	vst v63  }
0x2b: {  	s10 =	sadd.s32 $0x1, s10;
	_ =	swait.ge [sflag:s9], $0x4000  }
0x2c: {  	p0 =	sne.s32 s10, s4;
	[sflag:s9] =	ssyncset.done $0x0  }
.Ltmp1:
0x2d: {  	[sflag:s9] =	ssyncadd.s32 $0xFFFFC000;
	(pc) =	sbr.rel @p0 .LBB2_1-.Ltmp1, $4  }
0x2e: {  	[hbm4b:s11+s2] =	stream.linear.scatter [tilespmem:s8], [sflag:$0x2], $0x4000, $0x38;
	[tilespmem:$0x4080] =	vst v63  }
0x2f: {  	_ =	swait.ge [sflag:s7], $0x4000  }
0x30: {  	[sflag:s7] =	ssyncset.done $0x0  }
0x31: {  	[sflag:s7] =	ssyncadd.s32 $0xFFFFC000  }
0x32: {  	_ =	sfence.sel $0x180000  }
0x33: {  	[bflag:$0x0] =	sbarrier.arrive $0xFFFF  }
0x34: {  	p0 =	sne.s32 s1, $0x0;
	_ =	strace $0x90000050  }
0x35: {  	s0 =	sadd.s32 @!p0 $0x100000, s0;
	[bflag:$0x2] =	sbarrier.arrive $0xFFFF  }
0x36: {  	[sflag:s0] =	ssyncadd.tile.s32 @!p0 $0x1;
	_ =	shalt  }
.Lfunc_end2:
_tile_overlayer_lowered:
.L_overlay_start_2:
0x37: {  	(tag) =	ssettag $0x2  }
0x38: {  	s0 =	rddreg [dreg:$0x0];
	s2 =	stileid.u32  }
0x39: {  	s1 =	rddreg [dreg:$0x1];
	p0 =	sne.s32 s2, $0x0  }
0x3a: {  	s3 =	rddreg [dreg:$0x2];
	[bflag:$0x3] =	sbarrier.arrive $0xFFFF;
	s2 =	simm.s32 @!p0 $0x1C02  }
0x3b: {  	[timem:s3], [sflag:s2] =	dma.local @!p0 [hbm:s0], s1  }
0x3c: {  	s0 =	simm.s32 @!p0 $0x2  }
0x3d: {  	_ =	swait.ge @!p0 [sflag:s0], s1  }
0x3e: {  	s1 =	ssub.s32 @!p0 $0x0, s1;
	[sflag:s0] =	ssyncset.done @!p0 $0x0  }
0x3f: {  	[sflag:s0] =	ssyncadd.s32 @!p0 s1  }
0x40: {  	[bflag:$0x3] =	sbarrier.arrive $0xFFFF  }
0x41: {  	_ =	shalt  }

</sc_bundles>
